<compile_context>
chip_gen: v7x
topology: tpu7x:2x2x1
jax: 0.10.2.dev20260603
libtpu: 0.0.44.dev20260713+nightly
codegen_flags: <defaults>
</compile_context>

<pallas_src>
import functools

import jax
import jax.numpy as jnp
from jax import lax
from jax.experimental import pallas as pl
from jax.experimental.pallas import tpu as pltpu
from jax.experimental.pallas import tpu_sc as plsc

N_ROWS = 16384
N_COLS = 126
COL0 = 100
N_OUT = 26

_INFO = plsc.get_sparse_core_info()
_NC = _INFO.num_cores
_NS = _INFO.num_subcores
_NW = _NC * _NS
_ROWS_PER = N_ROWS // _NW
_NCHUNK = 8
_CH = _ROWS_PER // _NCHUNK


def _slice_body(in_hbm, out_hbm, ibuf, obuf, isems, osems):
    wid = lax.axis_index("s") * _NC + lax.axis_index("c")
    base = wid * _ROWS_PER

    in_copies = []
    for k in range(_NCHUNK):
        in_copies.append(
            pltpu.async_copy(
                in_hbm.at[pl.ds(base + k * _CH, _CH), :], ibuf.at[k], isems.at[k]
            )
        )

    out_copies = []
    for k in range(_NCHUNK):
        in_copies[k].wait()

        @plsc.parallel_loop(0, _CH, unroll=8)
        def _realign(row, k=k):
            v0 = ibuf[k, row, pl.ds(COL0, 16)]
            v1 = ibuf[k, row, pl.ds(COL0 + N_OUT - 16, 16)]
            obuf[k, row, pl.ds(0, 16)] = v0
            obuf[k, row, pl.ds(N_OUT - 16, 16)] = v1
        out_copies.append(
            pltpu.async_copy(
                obuf.at[k], out_hbm.at[pl.ds(base + k * _CH, _CH), :], osems.at[k]
            )
        )
    for c in out_copies:
        c.wait()


@jax.jit
def kernel(inputs):
    mesh = plsc.VectorSubcoreMesh(core_axis_name="c", subcore_axis_name="s")
    k = pl.kernel(
        _slice_body,
        mesh=mesh,
        out_type=jax.ShapeDtypeStruct((N_ROWS, N_OUT), jnp.float32),
        scratch_types=[
            pltpu.VMEM((_NCHUNK, _CH, N_COLS), jnp.float32),
            pltpu.VMEM((_NCHUNK, _CH, N_OUT), jnp.float32),
            pltpu.SemaphoreType.DMA((_NCHUNK,)),
            pltpu.SemaphoreType.DMA((_NCHUNK,)),
        ],
    )
    return k(inputs)

# --- scband reference (transcript-rebuilt; emitter-appended) ---
"""Pipeline reference for scband-numerical-features-extractor-66889820668257 (READ-ONLY COPY).

The authoritative reference and input builder live on the scoring server;
editing this copy changes nothing except your own understanding.
"""

import jax, jax.numpy as jnp
import numpy as np

# numerical feature indices derived from features_metadata['numerical'].values()
NUM_IDX = np.arange(100, 126, dtype=np.int64)


def setup_inputs(seed: int = 0) -> dict:
    key = jax.random.key(seed)
    inputs = jax.random.normal(key, (16384, 126), dtype=jnp.float32)
    return {"inputs": inputs}


def reference(inputs):
    # tf.gather(inputs, indices=numerical_idx, axis=1)
    idx = jnp.asarray(NUM_IDX)
    numerical_features = jnp.take(inputs, idx, axis=1)
    return numerical_features

if __name__ == "__main__":
    import jax
    _d = setup_inputs()
    print(jax.jit(kernel)(*tuple(_d.values())))

</pallas_src>

<mosaic_0001>
#map = affine_map<(d0, d1) -> (0, 0)>
module attributes {stable_mosaic.version = 14 : i64} {
  func.func @_slice_body(%arg0: i32, %arg1: i32, %arg2: memref<16384x126xf32, #tpu.memory_space<hbm>>, %arg3: memref<16384x26xf32, #tpu.memory_space<hbm>>, %arg4: memref<8x64x126xf32, #tpu.memory_space<vmem>>, %arg5: memref<8x64x26xf32, #tpu.memory_space<vmem>>, %arg6: memref<8x!tpu.dma_semaphore, #tpu.memory_space<semaphore_mem>>, %arg7: memref<8x!tpu.dma_semaphore, #tpu.memory_space<semaphore_mem>>) attributes {dimension_semantics = [#tpu.dimension_semantics<core_parallel>, #tpu.dimension_semantics<subcore_parallel>], iteration_bounds = array<i64: 2, 16>, scalar_prefetch = 0 : i64, scratch_operands = 4 : i64, tpu.core_type = #tpu.core_type<sc_vector_subcore>, window_params = [{transform_indices = #map}, {transform_indices = #map}]} {
    %mul3A = arith.constant 2 : i32
    %mul3A_0 = arith.muli %arg1, %mul3A : i32
    %add3A = arith.addi %mul3A_0, %arg0 : i32
    %mul3A_1 = arith.constant 512 : i32
    %mul3A_2 = arith.muli %add3A, %mul3A_1 : i32
    %add3A_3 = arith.constant 0 : i32
    %add3A_4 = arith.addi %mul3A_2, %add3A_3 : i32
    %dma_start3A = arith.constant 0 : i32
    %dma_start3A_5 = arith.constant 0 : i32
    %dma_start3A_6 = arith.constant 0 : i32
    %dma_start3A_7 = arith.constant 0 : i32
    %dma_start3A_8 = tpu.memref_slice %arg4[%dma_start3A, %dma_start3A_6, %dma_start3A_7] : memref<8x64x126xf32, #tpu.memory_space<vmem>> -> memref<1x64x126xf32, #tpu.memory_space<vmem>>
    %dma_start3A_9 = tpu.memref_squeeze %dma_start3A_8 : memref<1x64x126xf32, #tpu.memory_space<vmem>> -> memref<64x126xf32, #tpu.memory_space<vmem>>
    %dma_start3A_10 = arith.constant 0 : i32
    %dma_start3A_11 = tpu.memref_slice %arg2[%add3A_4, %dma_start3A_10] : memref<16384x126xf32, #tpu.memory_space<hbm>> -> memref<64x126xf32, #tpu.memory_space<hbm>>
    %dma_start3A_12 = tpu.memref_slice %arg6[%dma_start3A_5] : memref<8x!tpu.dma_semaphore, #tpu.memory_space<semaphore_mem>> -> memref<1x!tpu.dma_semaphore, #tpu.memory_space<semaphore_mem>>
    %dma_start3A_13 = tpu.memref_squeeze %dma_start3A_12 : memref<1x!tpu.dma_semaphore, #tpu.memory_space<semaphore_mem>> -> memref<!tpu.dma_semaphore, #tpu.memory_space<semaphore_mem>>
    %dma_start3A_14 = arith.constant 0 : i32
    %dma_start3A_15 = arith.constant 0 : i32
    %dma_start3A_16 = tpu.memref_slice %arg4[%dma_start3A, %dma_start3A_14, %dma_start3A_15] : memref<8x64x126xf32, #tpu.memory_space<vmem>> -> memref<1x64x126xf32, #tpu.memory_space<vmem>>
    %dma_start3A_17 = tpu.memref_squeeze %dma_start3A_16 : memref<1x64x126xf32, #tpu.memory_space<vmem>> -> memref<64x126xf32, #tpu.memory_space<vmem>>
    %dma_start3A_18 = arith.constant 0 : i32
    %dma_start3A_19 = tpu.memref_slice %arg2[%add3A_4, %dma_start3A_18] : memref<16384x126xf32, #tpu.memory_space<hbm>> -> memref<64x126xf32, #tpu.memory_space<hbm>>
    tpu.enqueue_dma source(%dma_start3A_19 : memref<64x126xf32, #tpu.memory_space<hbm>>) target(%dma_start3A_17 : memref<64x126xf32, #tpu.memory_space<vmem>>) target_semaphore(%dma_start3A_13 : memref<!tpu.dma_semaphore, #tpu.memory_space<semaphore_mem>>)
    %add3A_20 = arith.constant 64 : i32
    %add3A_21 = arith.addi %mul3A_2, %add3A_20 : i32
    %dma_start3A_22 = arith.constant 1 : i32
    %dma_start3A_23 = arith.constant 1 : i32
    %dma_start3A_24 = arith.constant 0 : i32
    %dma_start3A_25 = arith.constant 0 : i32
    %dma_start3A_26 = tpu.memref_slice %arg4[%dma_start3A_22, %dma_start3A_24, %dma_start3A_25] : memref<8x64x126xf32, #tpu.memory_space<vmem>> -> memref<1x64x126xf32, #tpu.memory_space<vmem>>
    %dma_start3A_27 = tpu.memref_squeeze %dma_start3A_26 : memref<1x64x126xf32, #tpu.memory_space<vmem>> -> memref<64x126xf32, #tpu.memory_space<vmem>>
    %dma_start3A_28 = arith.constant 0 : i32
    %dma_start3A_29 = tpu.memref_slice %arg2[%add3A_21, %dma_start3A_28] : memref<16384x126xf32, #tpu.memory_space<hbm>> -> memref<64x126xf32, #tpu.memory_space<hbm>>
    %dma_start3A_30 = tpu.memref_slice %arg6[%dma_start3A_23] : memref<8x!tpu.dma_semaphore, #tpu.memory_space<semaphore_mem>> -> memref<1x!tpu.dma_semaphore, #tpu.memory_space<semaphore_mem>>
    %dma_start3A_31 = tpu.memref_squeeze %dma_start3A_30 : memref<1x!tpu.dma_semaphore, #tpu.memory_space<semaphore_mem>> -> memref<!tpu.dma_semaphore, #tpu.memory_space<semaphore_mem>>
    %dma_start3A_32 = arith.constant 0 : i32
    %dma_start3A_33 = arith.constant 0 : i32
    %dma_start3A_34 = tpu.memref_slice %arg4[%dma_start3A_22, %dma_start3A_32, %dma_start3A_33] : memref<8x64x126xf32, #tpu.memory_space<vmem>> -> memref<1x64x126xf32, #tpu.memory_space<vmem>>
    %dma_start3A_35 = tpu.memref_squeeze %dma_start3A_34 : memref<1x64x126xf32, #tpu.memory_space<vmem>> -> memref<64x126xf32, #tpu.memory_space<vmem>>
    %dma_start3A_36 = arith.constant 0 : i32
    %dma_start3A_37 = tpu.memref_slice %arg2[%add3A_21, %dma_start3A_36] : memref<16384x126xf32, #tpu.memory_space<hbm>> -> memref<64x126xf32, #tpu.memory_space<hbm>>
    tpu.enqueue_dma source(%dma_start3A_37 : memref<64x126xf32, #tpu.memory_space<hbm>>) target(%dma_start3A_35 : memref<64x126xf32, #tpu.memory_space<vmem>>) target_semaphore(%dma_start3A_31 : memref<!tpu.dma_semaphore, #tpu.memory_space<semaphore_mem>>)
    %add3A_38 = arith.constant 128 : i32
    %add3A_39 = arith.addi %mul3A_2, %add3A_38 : i32
    %dma_start3A_40 = arith.constant 2 : i32
    %dma_start3A_41 = arith.constant 2 : i32
    %dma_start3A_42 = arith.constant 0 : i32
    %dma_start3A_43 = arith.constant 0 : i32
    %dma_start3A_44 = tpu.memref_slice %arg4[%dma_start3A_40, %dma_start3A_42, %dma_start3A_43] : memref<8x64x126xf32, #tpu.memory_space<vmem>> -> memref<1x64x126xf32, #tpu.memory_space<vmem>>
    %dma_start3A_45 = tpu.memref_squeeze %dma_start3A_44 : memref<1x64x126xf32, #tpu.memory_space<vmem>> -> memref<64x126xf32, #tpu.memory_space<vmem>>
    %dma_start3A_46 = arith.constant 0 : i32
    %dma_start3A_47 = tpu.memref_slice %arg2[%add3A_39, %dma_start3A_46] : memref<16384x126xf32, #tpu.memory_space<hbm>> -> memref<64x126xf32, #tpu.memory_space<hbm>>
    %dma_start3A_48 = tpu.memref_slice %arg6[%dma_start3A_41] : memref<8x!tpu.dma_semaphore, #tpu.memory_space<semaphore_mem>> -> memref<1x!tpu.dma_semaphore, #tpu.memory_space<semaphore_mem>>
    %dma_start3A_49 = tpu.memref_squeeze %dma_start3A_48 : memref<1x!tpu.dma_semaphore, #tpu.memory_space<semaphore_mem>> -> memref<!tpu.dma_semaphore, #tpu.memory_space<semaphore_mem>>
    %dma_start3A_50 = arith.constant 0 : i32
    %dma_start3A_51 = arith.constant 0 : i32
    %dma_start3A_52 = tpu.memref_slice %arg4[%dma_start3A_40, %dma_start3A_50, %dma_start3A_51] : memref<8x64x126xf32, #tpu.memory_space<vmem>> -> memref<1x64x126xf32, #tpu.memory_space<vmem>>
    %dma_start3A_53 = tpu.memref_squeeze %dma_start3A_52 : memref<1x64x126xf32, #tpu.memory_space<vmem>> -> memref<64x126xf32, #tpu.memory_space<vmem>>
    %dma_start3A_54 = arith.constant 0 : i32
    %dma_start3A_55 = tpu.memref_slice %arg2[%add3A_39, %dma_start3A_54] : memref<16384x126xf32, #tpu.memory_space<hbm>> -> memref<64x126xf32, #tpu.memory_space<hbm>>
    tpu.enqueue_dma source(%dma_start3A_55 : memref<64x126xf32, #tpu.memory_space<hbm>>) target(%dma_start3A_53 : memref<64x126xf32, #tpu.memory_space<vmem>>) target_semaphore(%dma_start3A_49 : memref<!tpu.dma_semaphore, #tpu.memory_space<semaphore_mem>>)
    %add3A_56 = arith.constant 192 : i32
    %add3A_57 = arith.addi %mul3A_2, %add3A_56 : i32
    %dma_start3A_58 = arith.constant 3 : i32
    %dma_start3A_59 = arith.constant 3 : i32
    %dma_start3A_60 = arith.constant 0 : i32
    %dma_start3A_61 = arith.constant 0 : i32
    %dma_start3A_62 = tpu.memref_slice %arg4[%dma_start3A_58, %dma_start3A_60, %dma_start3A_61] : memref<8x64x126xf32, #tpu.memory_space<vmem>> -> memref<1x64x126xf32, #tpu.memory_space<vmem>>
    %dma_start3A_63 = tpu.memref_squeeze %dma_start3A_62 : memref<1x64x126xf32, #tpu.memory_space<vmem>> -> memref<64x126xf32, #tpu.memory_space<vmem>>
    %dma_start3A_64 = arith.constant 0 : i32
    %dma_start3A_65 = tpu.memref_slice %arg2[%add3A_57, %dma_start3A_64] : memref<16384x126xf32, #tpu.memory_space<hbm>> -> memref<64x126xf32, #tpu.memory_space<hbm>>
    %dma_start3A_66 = tpu.memref_slice %arg6[%dma_start3A_59] : memref<8x!tpu.dma_semaphore, #tpu.memory_space<semaphore_mem>> -> memref<1x!tpu.dma_semaphore, #tpu.memory_space<semaphore_mem>>
    %dma_start3A_67 = tpu.memref_squeeze %dma_start3A_66 : memref<1x!tpu.dma_semaphore, #tpu.memory_space<semaphore_mem>> -> memref<!tpu.dma_semaphore, #tpu.memory_space<semaphore_mem>>
    %dma_start3A_68 = arith.constant 0 : i32
    %dma_start3A_69 = arith.constant 0 : i32
    %dma_start3A_70 = tpu.memref_slice %arg4[%dma_start3A_58, %dma_start3A_68, %dma_start3A_69] : memref<8x64x126xf32, #tpu.memory_space<vmem>> -> memref<1x64x126xf32, #tpu.memory_space<vmem>>
    %dma_start3A_71 = tpu.memref_squeeze %dma_start3A_70 : memref<1x64x126xf32, #tpu.memory_space<vmem>> -> memref<64x126xf32, #tpu.memory_space<vmem>>
    %dma_start3A_72 = arith.constant 0 : i32
    %dma_start3A_73 = tpu.memref_slice %arg2[%add3A_57, %dma_start3A_72] : memref<16384x126xf32, #tpu.memory_space<hbm>> -> memref<64x126xf32, #tpu.memory_space<hbm>>
    tpu.enqueue_dma source(%dma_start3A_73 : memref<64x126xf32, #tpu.memory_space<hbm>>) target(%dma_start3A_71 : memref<64x126xf32, #tpu.memory_space<vmem>>) target_semaphore(%dma_start3A_67 : memref<!tpu.dma_semaphore, #tpu.memory_space<semaphore_mem>>)
    %add3A_74 = arith.constant 256 : i32
    %add3A_75 = arith.addi %mul3A_2, %add3A_74 : i32
    %dma_start3A_76 = arith.constant 4 : i32
    %dma_start3A_77 = arith.constant 4 : i32
    %dma_start3A_78 = arith.constant 0 : i32
    %dma_start3A_79 = arith.constant 0 : i32
    %dma_start3A_80 = tpu.memref_slice %arg4[%dma_start3A_76, %dma_start3A_78, %dma_start3A_79] : memref<8x64x126xf32, #tpu.memory_space<vmem>> -> memref<1x64x126xf32, #tpu.memory_space<vmem>>
    %dma_start3A_81 = tpu.memref_squeeze %dma_start3A_80 : memref<1x64x126xf32, #tpu.memory_space<vmem>> -> memref<64x126xf32, #tpu.memory_space<vmem>>
    %dma_start3A_82 = arith.constant 0 : i32
    %dma_start3A_83 = tpu.memref_slice %arg2[%add3A_75, %dma_start3A_82] : memref<16384x126xf32, #tpu.memory_space<hbm>> -> memref<64x126xf32, #tpu.memory_space<hbm>>
    %dma_start3A_84 = tpu.memref_slice %arg6[%dma_start3A_77] : memref<8x!tpu.dma_semaphore, #tpu.memory_space<semaphore_mem>> -> memref<1x!tpu.dma_semaphore, #tpu.memory_space<semaphore_mem>>
    %dma_start3A_85 = tpu.memref_squeeze %dma_start3A_84 : memref<1x!tpu.dma_semaphore, #tpu.memory_space<semaphore_mem>> -> memref<!tpu.dma_semaphore, #tpu.memory_space<semaphore_mem>>
    %dma_start3A_86 = arith.constant 0 : i32
    %dma_start3A_87 = arith.constant 0 : i32
    %dma_start3A_88 = tpu.memref_slice %arg4[%dma_start3A_76, %dma_start3A_86, %dma_start3A_87] : memref<8x64x126xf32, #tpu.memory_space<vmem>> -> memref<1x64x126xf32, #tpu.memory_space<vmem>>
    %dma_start3A_89 = tpu.memref_squeeze %dma_start3A_88 : memref<1x64x126xf32, #tpu.memory_space<vmem>> -> memref<64x126xf32, #tpu.memory_space<vmem>>
    %dma_start3A_90 = arith.constant 0 : i32
    %dma_start3A_91 = tpu.memref_slice %arg2[%add3A_75, %dma_start3A_90] : memref<16384x126xf32, #tpu.memory_space<hbm>> -> memref<64x126xf32, #tpu.memory_space<hbm>>
    tpu.enqueue_dma source(%dma_start3A_91 : memref<64x126xf32, #tpu.memory_space<hbm>>) target(%dma_start3A_89 : memref<64x126xf32, #tpu.memory_space<vmem>>) target_semaphore(%dma_start3A_85 : memref<!tpu.dma_semaphore, #tpu.memory_space<semaphore_mem>>)
    %add3A_92 = arith.constant 320 : i32
    %add3A_93 = arith.addi %mul3A_2, %add3A_92 : i32
    %dma_start3A_94 = arith.constant 5 : i32
    %dma_start3A_95 = arith.constant 5 : i32
    %dma_start3A_96 = arith.constant 0 : i32
    %dma_start3A_97 = arith.constant 0 : i32
    %dma_start3A_98 = tpu.memref_slice %arg4[%dma_start3A_94, %dma_start3A_96, %dma_start3A_97] : memref<8x64x126xf32, #tpu.memory_space<vmem>> -> memref<1x64x126xf32, #tpu.memory_space<vmem>>
    %dma_start3A_99 = tpu.memref_squeeze %dma_start3A_98 : memref<1x64x126xf32, #tpu.memory_space<vmem>> -> memref<64x126xf32, #tpu.memory_space<vmem>>
    %dma_start3A_100 = arith.constant 0 : i32
    %dma_start3A_101 = tpu.memref_slice %arg2[%add3A_93, %dma_start3A_100] : memref<16384x126xf32, #tpu.memory_space<hbm>> -> memref<64x126xf32, #tpu.memory_space<hbm>>
    %dma_start3A_102 = tpu.memref_slice %arg6[%dma_start3A_95] : memref<8x!tpu.dma_semaphore, #tpu.memory_space<semaphore_mem>> -> memref<1x!tpu.dma_semaphore, #tpu.memory_space<semaphore_mem>>
    %dma_start3A_103 = tpu.memref_squeeze %dma_start3A_102 : memref<1x!tpu.dma_semaphore, #tpu.memory_space<semaphore_mem>> -> memref<!tpu.dma_semaphore, #tpu.memory_space<semaphore_mem>>
    %dma_start3A_104 = arith.constant 0 : i32
    %dma_start3A_105 = arith.constant 0 : i32
    %dma_start3A_106 = tpu.memref_slice %arg4[%dma_start3A_94, %dma_start3A_104, %dma_start3A_105] : memref<8x64x126xf32, #tpu.memory_space<vmem>> -> memref<1x64x126xf32, #tpu.memory_space<vmem>>
    %dma_start3A_107 = tpu.memref_squeeze %dma_start3A_106 : memref<1x64x126xf32, #tpu.memory_space<vmem>> -> memref<64x126xf32, #tpu.memory_space<vmem>>
    %dma_start3A_108 = arith.constant 0 : i32
    %dma_start3A_109 = tpu.memref_slice %arg2[%add3A_93, %dma_start3A_108] : memref<16384x126xf32, #tpu.memory_space<hbm>> -> memref<64x126xf32, #tpu.memory_space<hbm>>
    tpu.enqueue_dma source(%dma_start3A_109 : memref<64x126xf32, #tpu.memory_space<hbm>>) target(%dma_start3A_107 : memref<64x126xf32, #tpu.memory_space<vmem>>) target_semaphore(%dma_start3A_103 : memref<!tpu.dma_semaphore, #tpu.memory_space<semaphore_mem>>)
    %add3A_110 = arith.constant 384 : i32
    %add3A_111 = arith.addi %mul3A_2, %add3A_110 : i32
    %dma_start3A_112 = arith.constant 6 : i32
    %dma_start3A_113 = arith.constant 6 : i32
    %dma_start3A_114 = arith.constant 0 : i32
    %dma_start3A_115 = arith.constant 0 : i32
    %dma_start3A_116 = tpu.memref_slice %arg4[%dma_start3A_112, %dma_start3A_114, %dma_start3A_115] : memref<8x64x126xf32, #tpu.memory_space<vmem>> -> memref<1x64x126xf32, #tpu.memory_space<vmem>>
    %dma_start3A_117 = tpu.memref_squeeze %dma_start3A_116 : memref<1x64x126xf32, #tpu.memory_space<vmem>> -> memref<64x126xf32, #tpu.memory_space<vmem>>
    %dma_start3A_118 = arith.constant 0 : i32
    %dma_start3A_119 = tpu.memref_slice %arg2[%add3A_111, %dma_start3A_118] : memref<16384x126xf32, #tpu.memory_space<hbm>> -> memref<64x126xf32, #tpu.memory_space<hbm>>
    %dma_start3A_120 = tpu.memref_slice %arg6[%dma_start3A_113] : memref<8x!tpu.dma_semaphore, #tpu.memory_space<semaphore_mem>> -> memref<1x!tpu.dma_semaphore, #tpu.memory_space<semaphore_mem>>
    %dma_start3A_121 = tpu.memref_squeeze %dma_start3A_120 : memref<1x!tpu.dma_semaphore, #tpu.memory_space<semaphore_mem>> -> memref<!tpu.dma_semaphore, #tpu.memory_space<semaphore_mem>>
    %dma_start3A_122 = arith.constant 0 : i32
    %dma_start3A_123 = arith.constant 0 : i32
    %dma_start3A_124 = tpu.memref_slice %arg4[%dma_start3A_112, %dma_start3A_122, %dma_start3A_123] : memref<8x64x126xf32, #tpu.memory_space<vmem>> -> memref<1x64x126xf32, #tpu.memory_space<vmem>>
    %dma_start3A_125 = tpu.memref_squeeze %dma_start3A_124 : memref<1x64x126xf32, #tpu.memory_space<vmem>> -> memref<64x126xf32, #tpu.memory_space<vmem>>
    %dma_start3A_126 = arith.constant 0 : i32
    %dma_start3A_127 = tpu.memref_slice %arg2[%add3A_111, %dma_start3A_126] : memref<16384x126xf32, #tpu.memory_space<hbm>> -> memref<64x126xf32, #tpu.memory_space<hbm>>
    tpu.enqueue_dma source(%dma_start3A_127 : memref<64x126xf32, #tpu.memory_space<hbm>>) target(%dma_start3A_125 : memref<64x126xf32, #tpu.memory_space<vmem>>) target_semaphore(%dma_start3A_121 : memref<!tpu.dma_semaphore, #tpu.memory_space<semaphore_mem>>)
    %add3A_128 = arith.constant 448 : i32
    %add3A_129 = arith.addi %mul3A_2, %add3A_128 : i32
    %dma_start3A_130 = arith.constant 7 : i32
    %dma_start3A_131 = arith.constant 7 : i32
    %dma_start3A_132 = arith.constant 0 : i32
    %dma_start3A_133 = arith.constant 0 : i32
    %dma_start3A_134 = tpu.memref_slice %arg4[%dma_start3A_130, %dma_start3A_132, %dma_start3A_133] : memref<8x64x126xf32, #tpu.memory_space<vmem>> -> memref<1x64x126xf32, #tpu.memory_space<vmem>>
    %dma_start3A_135 = tpu.memref_squeeze %dma_start3A_134 : memref<1x64x126xf32, #tpu.memory_space<vmem>> -> memref<64x126xf32, #tpu.memory_space<vmem>>
    %dma_start3A_136 = arith.constant 0 : i32
    %dma_start3A_137 = tpu.memref_slice %arg2[%add3A_129, %dma_start3A_136] : memref<16384x126xf32, #tpu.memory_space<hbm>> -> memref<64x126xf32, #tpu.memory_space<hbm>>
    %dma_start3A_138 = tpu.memref_slice %arg6[%dma_start3A_131] : memref<8x!tpu.dma_semaphore, #tpu.memory_space<semaphore_mem>> -> memref<1x!tpu.dma_semaphore, #tpu.memory_space<semaphore_mem>>
    %dma_start3A_139 = tpu.memref_squeeze %dma_start3A_138 : memref<1x!tpu.dma_semaphore, #tpu.memory_space<semaphore_mem>> -> memref<!tpu.dma_semaphore, #tpu.memory_space<semaphore_mem>>
    %dma_start3A_140 = arith.constant 0 : i32
    %dma_start3A_141 = arith.constant 0 : i32
    %dma_start3A_142 = tpu.memref_slice %arg4[%dma_start3A_130, %dma_start3A_140, %dma_start3A_141] : memref<8x64x126xf32, #tpu.memory_space<vmem>> -> memref<1x64x126xf32, #tpu.memory_space<vmem>>
    %dma_start3A_143 = tpu.memref_squeeze %dma_start3A_142 : memref<1x64x126xf32, #tpu.memory_space<vmem>> -> memref<64x126xf32, #tpu.memory_space<vmem>>
    %dma_start3A_144 = arith.constant 0 : i32
    %dma_start3A_145 = tpu.memref_slice %arg2[%add3A_129, %dma_start3A_144] : memref<16384x126xf32, #tpu.memory_space<hbm>> -> memref<64x126xf32, #tpu.memory_space<hbm>>
    tpu.enqueue_dma source(%dma_start3A_145 : memref<64x126xf32, #tpu.memory_space<hbm>>) target(%dma_start3A_143 : memref<64x126xf32, #tpu.memory_space<vmem>>) target_semaphore(%dma_start3A_139 : memref<!tpu.dma_semaphore, #tpu.memory_space<semaphore_mem>>)
    %dma_wait3A = arith.constant 0 : i32
    %dma_wait3A_146 = arith.constant 0 : i32
    %dma_wait3A_147 = arith.constant 0 : i32
    %dma_wait3A_148 = arith.constant 0 : i32
    %dma_wait3A_149 = tpu.memref_slice %arg4[%dma_wait3A, %dma_wait3A_147, %dma_wait3A_148] : memref<8x64x126xf32, #tpu.memory_space<vmem>> -> memref<1x64x126xf32, #tpu.memory_space<vmem>>
    %dma_wait3A_150 = tpu.memref_squeeze %dma_wait3A_149 : memref<1x64x126xf32, #tpu.memory_space<vmem>> -> memref<64x126xf32, #tpu.memory_space<vmem>>
    %dma_wait3A_151 = arith.constant 0 : i32
    %dma_wait3A_152 = tpu.memref_slice %arg2[%add3A_4, %dma_wait3A_151] : memref<16384x126xf32, #tpu.memory_space<hbm>> -> memref<64x126xf32, #tpu.memory_space<hbm>>
    %dma_wait3A_153 = tpu.memref_slice %arg6[%dma_wait3A_146] : memref<8x!tpu.dma_semaphore, #tpu.memory_space<semaphore_mem>> -> memref<1x!tpu.dma_semaphore, #tpu.memory_space<semaphore_mem>>
    %dma_wait3A_154 = tpu.memref_squeeze %dma_wait3A_153 : memref<1x!tpu.dma_semaphore, #tpu.memory_space<semaphore_mem>> -> memref<!tpu.dma_semaphore, #tpu.memory_space<semaphore_mem>>
    %dma_wait3A_155 = arith.constant 0 : i32
    %dma_wait3A_156 = arith.constant 0 : i32
    %dma_wait3A_157 = tpu.memref_slice %arg4[%dma_wait3A, %dma_wait3A_155, %dma_wait3A_156] : memref<8x64x126xf32, #tpu.memory_space<vmem>> -> memref<1x64x126xf32, #tpu.memory_space<vmem>>
    %dma_wait3A_158 = tpu.memref_squeeze %dma_wait3A_157 : memref<1x64x126xf32, #tpu.memory_space<vmem>> -> memref<64x126xf32, #tpu.memory_space<vmem>>
    %dma_wait3A_159 = arith.constant 0 : i32
    %dma_wait3A_160 = tpu.memref_slice %arg2[%add3A_4, %dma_wait3A_159] : memref<16384x126xf32, #tpu.memory_space<hbm>> -> memref<64x126xf32, #tpu.memory_space<hbm>>
    tpu.wait_dma2 semaphore(%dma_wait3A_154 : memref<!tpu.dma_semaphore, #tpu.memory_space<semaphore_mem>>) src(%dma_wait3A_160 : memref<64x126xf32, #tpu.memory_space<hbm>>) dst(%dma_wait3A_158 : memref<64x126xf32, #tpu.memory_space<vmem>>)
    %parallel_loop3A = arith.constant 0 : i32
    %parallel_loop3A_161 = arith.constant 64 : i32
    %parallel_loop3A_162 = arith.constant 1 : i32
    scf.for %parallel_loop3A_568 = %parallel_loop3A to %parallel_loop3A_161 step %parallel_loop3A_162  : i32 {
      %parallel_loop3A_569 = arith.constant 0 : i32
      %parallel_loop3A_570 = arith.index_cast %parallel_loop3A_569 : i32 to index
      %parallel_loop3A_571 = arith.index_cast %parallel_loop3A_568 : i32 to index
      %parallel_loop3A_572 = arith.constant 100 : index
      %parallel_loop3A_573 = tpu.vector_load %arg4[%parallel_loop3A_570, %parallel_loop3A_571, %parallel_loop3A_572] {strides = array<i32>} : memref<8x64x126xf32, #tpu.memory_space<vmem>>, vector<1x1x16xf32>,
      %parallel_loop3A_574 = vector.shape_cast %parallel_loop3A_573 : vector<1x1x16xf32> to vector<16xf32>
      %parallel_loop3A_575 = arith.constant 0 : i32
      %parallel_loop3A_576 = arith.index_cast %parallel_loop3A_575 : i32 to index
      %parallel_loop3A_577 = arith.index_cast %parallel_loop3A_568 : i32 to index
      %parallel_loop3A_578 = arith.constant 110 : index
      %parallel_loop3A_579 = tpu.vector_load %arg4[%parallel_loop3A_576, %parallel_loop3A_577, %parallel_loop3A_578] {strides = array<i32>} : memref<8x64x126xf32, #tpu.memory_space<vmem>>, vector<1x1x16xf32>,
      %parallel_loop3A_580 = vector.shape_cast %parallel_loop3A_579 : vector<1x1x16xf32> to vector<16xf32>
      %parallel_loop3A_581 = arith.constant 0 : i32
      %parallel_loop3A_582 = arith.index_cast %parallel_loop3A_581 : i32 to index
      %parallel_loop3A_583 = arith.index_cast %parallel_loop3A_568 : i32 to index
      %parallel_loop3A_584 = arith.constant 0 : index
      %parallel_loop3A_585 = tpu.vector_load %arg5[%parallel_loop3A_582, %parallel_loop3A_583, %parallel_loop3A_584] {strides = array<i32>} : memref<8x64x26xf32, #tpu.memory_space<vmem>>, vector<1x1x16xf32>,
      %parallel_loop3A_586 = vector.shape_cast %parallel_loop3A_585 : vector<1x1x16xf32> to vector<16xf32>
      %parallel_loop3A_587 = vector.shape_cast %parallel_loop3A_574 : vector<16xf32> to vector<1x1x16xf32>
      tpu.vector_store %arg5[%parallel_loop3A_582, %parallel_loop3A_583, %parallel_loop3A_584], %parallel_loop3A_587 {strides = array<i32>} : memref<8x64x26xf32, #tpu.memory_space<vmem>>, vector<1x1x16xf32>,
      %parallel_loop3A_588 = arith.constant 0 : i32
      %parallel_loop3A_589 = arith.index_cast %parallel_loop3A_588 : i32 to index
      %parallel_loop3A_590 = arith.index_cast %parallel_loop3A_568 : i32 to index
      %parallel_loop3A_591 = arith.constant 10 : index
      %parallel_loop3A_592 = tpu.vector_load %arg5[%parallel_loop3A_589, %parallel_loop3A_590, %parallel_loop3A_591] {strides = array<i32>} : memref<8x64x26xf32, #tpu.memory_space<vmem>>, vector<1x1x16xf32>,
      %parallel_loop3A_593 = vector.shape_cast %parallel_loop3A_592 : vector<1x1x16xf32> to vector<16xf32>
      %parallel_loop3A_594 = vector.shape_cast %parallel_loop3A_580 : vector<16xf32> to vector<1x1x16xf32>
      tpu.vector_store %arg5[%parallel_loop3A_589, %parallel_loop3A_590, %parallel_loop3A_591], %parallel_loop3A_594 {strides = array<i32>} : memref<8x64x26xf32, #tpu.memory_space<vmem>>, vector<1x1x16xf32>,
    } {sc.loop_unroll_factor = 8 : i64, sc.parallel_access}
    %add3A_163 = arith.constant 0 : i32
    %add3A_164 = arith.addi %mul3A_2, %add3A_163 : i32
    %dma_start3A_165 = arith.constant 0 : i32
    %dma_start3A_166 = arith.constant 0 : i32
    %dma_start3A_167 = arith.constant 0 : i32
    %dma_start3A_168 = arith.constant 0 : i32
    %dma_start3A_169 = tpu.memref_slice %arg5[%dma_start3A_165, %dma_start3A_167, %dma_start3A_168] : memref<8x64x26xf32, #tpu.memory_space<vmem>> -> memref<1x64x26xf32, #tpu.memory_space<vmem>>
    %dma_start3A_170 = tpu.memref_squeeze %dma_start3A_169 : memref<1x64x26xf32, #tpu.memory_space<vmem>> -> memref<64x26xf32, #tpu.memory_space<vmem>>
    %dma_start3A_171 = arith.constant 0 : i32
    %dma_start3A_172 = tpu.memref_slice %arg3[%add3A_164, %dma_start3A_171] : memref<16384x26xf32, #tpu.memory_space<hbm>> -> memref<64x26xf32, #tpu.memory_space<hbm>>
    %dma_start3A_173 = tpu.memref_slice %arg7[%dma_start3A_166] : memref<8x!tpu.dma_semaphore, #tpu.memory_space<semaphore_mem>> -> memref<1x!tpu.dma_semaphore, #tpu.memory_space<semaphore_mem>>
    %dma_start3A_174 = tpu.memref_squeeze %dma_start3A_173 : memref<1x!tpu.dma_semaphore, #tpu.memory_space<semaphore_mem>> -> memref<!tpu.dma_semaphore, #tpu.memory_space<semaphore_mem>>
    %dma_start3A_175 = arith.constant 0 : i32
    %dma_start3A_176 = tpu.memref_slice %arg3[%add3A_164, %dma_start3A_175] : memref<16384x26xf32, #tpu.memory_space<hbm>> -> memref<64x26xf32, #tpu.memory_space<hbm>>
    %dma_start3A_177 = arith.constant 0 : i32
    %dma_start3A_178 = arith.constant 0 : i32
    %dma_start3A_179 = tpu.memref_slice %arg5[%dma_start3A_165, %dma_start3A_177, %dma_start3A_178] : memref<8x64x26xf32, #tpu.memory_space<vmem>> -> memref<1x64x26xf32, #tpu.memory_space<vmem>>
    %dma_start3A_180 = tpu.memref_squeeze %dma_start3A_179 : memref<1x64x26xf32, #tpu.memory_space<vmem>> -> memref<64x26xf32, #tpu.memory_space<vmem>>
    tpu.enqueue_dma source(%dma_start3A_180 : memref<64x26xf32, #tpu.memory_space<vmem>>) target(%dma_start3A_176 : memref<64x26xf32, #tpu.memory_space<hbm>>) target_semaphore(%dma_start3A_174 : memref<!tpu.dma_semaphore, #tpu.memory_space<semaphore_mem>>)
    %dma_wait3A_181 = arith.constant 1 : i32
    %dma_wait3A_182 = arith.constant 1 : i32
    %dma_wait3A_183 = arith.constant 0 : i32
    %dma_wait3A_184 = arith.constant 0 : i32
    %dma_wait3A_185 = tpu.memref_slice %arg4[%dma_wait3A_181, %dma_wait3A_183, %dma_wait3A_184] : memref<8x64x126xf32, #tpu.memory_space<vmem>> -> memref<1x64x126xf32, #tpu.memory_space<vmem>>
    %dma_wait3A_186 = tpu.memref_squeeze %dma_wait3A_185 : memref<1x64x126xf32, #tpu.memory_space<vmem>> -> memref<64x126xf32, #tpu.memory_space<vmem>>
    %dma_wait3A_187 = arith.constant 0 : i32
    %dma_wait3A_188 = tpu.memref_slice %arg2[%add3A_21, %dma_wait3A_187] : memref<16384x126xf32, #tpu.memory_space<hbm>> -> memref<64x126xf32, #tpu.memory_space<hbm>>
    %dma_wait3A_189 = tpu.memref_slice %arg6[%dma_wait3A_182] : memref<8x!tpu.dma_semaphore, #tpu.memory_space<semaphore_mem>> -> memref<1x!tpu.dma_semaphore, #tpu.memory_space<semaphore_mem>>
    %dma_wait3A_190 = tpu.memref_squeeze %dma_wait3A_189 : memref<1x!tpu.dma_semaphore, #tpu.memory_space<semaphore_mem>> -> memref<!tpu.dma_semaphore, #tpu.memory_space<semaphore_mem>>
    %dma_wait3A_191 = arith.constant 0 : i32
    %dma_wait3A_192 = arith.constant 0 : i32
    %dma_wait3A_193 = tpu.memref_slice %arg4[%dma_wait3A_181, %dma_wait3A_191, %dma_wait3A_192] : memref<8x64x126xf32, #tpu.memory_space<vmem>> -> memref<1x64x126xf32, #tpu.memory_space<vmem>>
    %dma_wait3A_194 = tpu.memref_squeeze %dma_wait3A_193 : memref<1x64x126xf32, #tpu.memory_space<vmem>> -> memref<64x126xf32, #tpu.memory_space<vmem>>
    %dma_wait3A_195 = arith.constant 0 : i32
    %dma_wait3A_196 = tpu.memref_slice %arg2[%add3A_21, %dma_wait3A_195] : memref<16384x126xf32, #tpu.memory_space<hbm>> -> memref<64x126xf32, #tpu.memory_space<hbm>>
    tpu.wait_dma2 semaphore(%dma_wait3A_190 : memref<!tpu.dma_semaphore, #tpu.memory_space<semaphore_mem>>) src(%dma_wait3A_196 : memref<64x126xf32, #tpu.memory_space<hbm>>) dst(%dma_wait3A_194 : memref<64x126xf32, #tpu.memory_space<vmem>>)
    %parallel_loop3A_197 = arith.constant 0 : i32
    %parallel_loop3A_198 = arith.constant 64 : i32
    %parallel_loop3A_199 = arith.constant 1 : i32
    scf.for %parallel_loop3A_568 = %parallel_loop3A_197 to %parallel_loop3A_198 step %parallel_loop3A_199  : i32 {
      %parallel_loop3A_569 = arith.constant 1 : i32
      %parallel_loop3A_570 = arith.index_cast %parallel_loop3A_569 : i32 to index
      %parallel_loop3A_571 = arith.index_cast %parallel_loop3A_568 : i32 to index
      %parallel_loop3A_572 = arith.constant 100 : index
      %parallel_loop3A_573 = tpu.vector_load %arg4[%parallel_loop3A_570, %parallel_loop3A_571, %parallel_loop3A_572] {strides = array<i32>} : memref<8x64x126xf32, #tpu.memory_space<vmem>>, vector<1x1x16xf32>,
      %parallel_loop3A_574 = vector.shape_cast %parallel_loop3A_573 : vector<1x1x16xf32> to vector<16xf32>
      %parallel_loop3A_575 = arith.constant 1 : i32
      %parallel_loop3A_576 = arith.index_cast %parallel_loop3A_575 : i32 to index
      %parallel_loop3A_577 = arith.index_cast %parallel_loop3A_568 : i32 to index
      %parallel_loop3A_578 = arith.constant 110 : index
      %parallel_loop3A_579 = tpu.vector_load %arg4[%parallel_loop3A_576, %parallel_loop3A_577, %parallel_loop3A_578] {strides = array<i32>} : memref<8x64x126xf32, #tpu.memory_space<vmem>>, vector<1x1x16xf32>,
      %parallel_loop3A_580 = vector.shape_cast %parallel_loop3A_579 : vector<1x1x16xf32> to vector<16xf32>
      %parallel_loop3A_581 = arith.constant 1 : i32
      %parallel_loop3A_582 = arith.index_cast %parallel_loop3A_581 : i32 to index
      %parallel_loop3A_583 = arith.index_cast %parallel_loop3A_568 : i32 to index
      %parallel_loop3A_584 = arith.constant 0 : index
      %parallel_loop3A_585 = tpu.vector_load %arg5[%parallel_loop3A_582, %parallel_loop3A_583, %parallel_loop3A_584] {strides = array<i32>} : memref<8x64x26xf32, #tpu.memory_space<vmem>>, vector<1x1x16xf32>,
      %parallel_loop3A_586 = vector.shape_cast %parallel_loop3A_585 : vector<1x1x16xf32> to vector<16xf32>
      %parallel_loop3A_587 = vector.shape_cast %parallel_loop3A_574 : vector<16xf32> to vector<1x1x16xf32>
      tpu.vector_store %arg5[%parallel_loop3A_582, %parallel_loop3A_583, %parallel_loop3A_584], %parallel_loop3A_587 {strides = array<i32>} : memref<8x64x26xf32, #tpu.memory_space<vmem>>, vector<1x1x16xf32>,
      %parallel_loop3A_588 = arith.constant 1 : i32
      %parallel_loop3A_589 = arith.index_cast %parallel_loop3A_588 : i32 to index
      %parallel_loop3A_590 = arith.index_cast %parallel_loop3A_568 : i32 to index
      %parallel_loop3A_591 = arith.constant 10 : index
      %parallel_loop3A_592 = tpu.vector_load %arg5[%parallel_loop3A_589, %parallel_loop3A_590, %parallel_loop3A_591] {strides = array<i32>} : memref<8x64x26xf32, #tpu.memory_space<vmem>>, vector<1x1x16xf32>,
      %parallel_loop3A_593 = vector.shape_cast %parallel_loop3A_592 : vector<1x1x16xf32> to vector<16xf32>
      %parallel_loop3A_594 = vector.shape_cast %parallel_loop3A_580 : vector<16xf32> to vector<1x1x16xf32>
      tpu.vector_store %arg5[%parallel_loop3A_589, %parallel_loop3A_590, %parallel_loop3A_591], %parallel_loop3A_594 {strides = array<i32>} : memref<8x64x26xf32, #tpu.memory_space<vmem>>, vector<1x1x16xf32>,
    } {sc.loop_unroll_factor = 8 : i64, sc.parallel_access}
    %add3A_200 = arith.constant 64 : i32
    %add3A_201 = arith.addi %mul3A_2, %add3A_200 : i32
    %dma_start3A_202 = arith.constant 1 : i32
    %dma_start3A_203 = arith.constant 1 : i32
    %dma_start3A_204 = arith.constant 0 : i32
    %dma_start3A_205 = arith.constant 0 : i32
    %dma_start3A_206 = tpu.memref_slice %arg5[%dma_start3A_202, %dma_start3A_204, %dma_start3A_205] : memref<8x64x26xf32, #tpu.memory_space<vmem>> -> memref<1x64x26xf32, #tpu.memory_space<vmem>>
    %dma_start3A_207 = tpu.memref_squeeze %dma_start3A_206 : memref<1x64x26xf32, #tpu.memory_space<vmem>> -> memref<64x26xf32, #tpu.memory_space<vmem>>
    %dma_start3A_208 = arith.constant 0 : i32
    %dma_start3A_209 = tpu.memref_slice %arg3[%add3A_201, %dma_start3A_208] : memref<16384x26xf32, #tpu.memory_space<hbm>> -> memref<64x26xf32, #tpu.memory_space<hbm>>
    %dma_start3A_210 = tpu.memref_slice %arg7[%dma_start3A_203] : memref<8x!tpu.dma_semaphore, #tpu.memory_space<semaphore_mem>> -> memref<1x!tpu.dma_semaphore, #tpu.memory_space<semaphore_mem>>
    %dma_start3A_211 = tpu.memref_squeeze %dma_start3A_210 : memref<1x!tpu.dma_semaphore, #tpu.memory_space<semaphore_mem>> -> memref<!tpu.dma_semaphore, #tpu.memory_space<semaphore_mem>>
    %dma_start3A_212 = arith.constant 0 : i32
    %dma_start3A_213 = tpu.memref_slice %arg3[%add3A_201, %dma_start3A_212] : memref<16384x26xf32, #tpu.memory_space<hbm>> -> memref<64x26xf32, #tpu.memory_space<hbm>>
    %dma_start3A_214 = arith.constant 0 : i32
    %dma_start3A_215 = arith.constant 0 : i32
    %dma_start3A_216 = tpu.memref_slice %arg5[%dma_start3A_202, %dma_start3A_214, %dma_start3A_215] : memref<8x64x26xf32, #tpu.memory_space<vmem>> -> memref<1x64x26xf32, #tpu.memory_space<vmem>>
    %dma_start3A_217 = tpu.memref_squeeze %dma_start3A_216 : memref<1x64x26xf32, #tpu.memory_space<vmem>> -> memref<64x26xf32, #tpu.memory_space<vmem>>
    tpu.enqueue_dma source(%dma_start3A_217 : memref<64x26xf32, #tpu.memory_space<vmem>>) target(%dma_start3A_213 : memref<64x26xf32, #tpu.memory_space<hbm>>) target_semaphore(%dma_start3A_211 : memref<!tpu.dma_semaphore, #tpu.memory_space<semaphore_mem>>)
    %dma_wait3A_218 = arith.constant 2 : i32
    %dma_wait3A_219 = arith.constant 2 : i32
    %dma_wait3A_220 = arith.constant 0 : i32
    %dma_wait3A_221 = arith.constant 0 : i32
    %dma_wait3A_222 = tpu.memref_slice %arg4[%dma_wait3A_218, %dma_wait3A_220, %dma_wait3A_221] : memref<8x64x126xf32, #tpu.memory_space<vmem>> -> memref<1x64x126xf32, #tpu.memory_space<vmem>>
    %dma_wait3A_223 = tpu.memref_squeeze %dma_wait3A_222 : memref<1x64x126xf32, #tpu.memory_space<vmem>> -> memref<64x126xf32, #tpu.memory_space<vmem>>
    %dma_wait3A_224 = arith.constant 0 : i32
    %dma_wait3A_225 = tpu.memref_slice %arg2[%add3A_39, %dma_wait3A_224] : memref<16384x126xf32, #tpu.memory_space<hbm>> -> memref<64x126xf32, #tpu.memory_space<hbm>>
    %dma_wait3A_226 = tpu.memref_slice %arg6[%dma_wait3A_219] : memref<8x!tpu.dma_semaphore, #tpu.memory_space<semaphore_mem>> -> memref<1x!tpu.dma_semaphore, #tpu.memory_space<semaphore_mem>>
    %dma_wait3A_227 = tpu.memref_squeeze %dma_wait3A_226 : memref<1x!tpu.dma_semaphore, #tpu.memory_space<semaphore_mem>> -> memref<!tpu.dma_semaphore, #tpu.memory_space<semaphore_mem>>
    %dma_wait3A_228 = arith.constant 0 : i32
    %dma_wait3A_229 = arith.constant 0 : i32
    %dma_wait3A_230 = tpu.memref_slice %arg4[%dma_wait3A_218, %dma_wait3A_228, %dma_wait3A_229] : memref<8x64x126xf32, #tpu.memory_space<vmem>> -> memref<1x64x126xf32, #tpu.memory_space<vmem>>
    %dma_wait3A_231 = tpu.memref_squeeze %dma_wait3A_230 : memref<1x64x126xf32, #tpu.memory_space<vmem>> -> memref<64x126xf32, #tpu.memory_space<vmem>>
    %dma_wait3A_232 = arith.constant 0 : i32
    %dma_wait3A_233 = tpu.memref_slice %arg2[%add3A_39, %dma_wait3A_232] : memref<16384x126xf32, #tpu.memory_space<hbm>> -> memref<64x126xf32, #tpu.memory_space<hbm>>
    tpu.wait_dma2 semaphore(%dma_wait3A_227 : memref<!tpu.dma_semaphore, #tpu.memory_space<semaphore_mem>>) src(%dma_wait3A_233 : memref<64x126xf32, #tpu.memory_space<hbm>>) dst(%dma_wait3A_231 : memref<64x126xf32, #tpu.memory_space<vmem>>)
    %parallel_loop3A_234 = arith.constant 0 : i32
    %parallel_loop3A_235 = arith.constant 64 : i32
    %parallel_loop3A_236 = arith.constant 1 : i32
    scf.for %parallel_loop3A_568 = %parallel_loop3A_234 to %parallel_loop3A_235 step %parallel_loop3A_236  : i32 {
      %parallel_loop3A_569 = arith.constant 2 : i32
      %parallel_loop3A_570 = arith.index_cast %parallel_loop3A_569 : i32 to index
      %parallel_loop3A_571 = arith.index_cast %parallel_loop3A_568 : i32 to index
      %parallel_loop3A_572 = arith.constant 100 : index
      %parallel_loop3A_573 = tpu.vector_load %arg4[%parallel_loop3A_570, %parallel_loop3A_571, %parallel_loop3A_572] {strides = array<i32>} : memref<8x64x126xf32, #tpu.memory_space<vmem>>, vector<1x1x16xf32>,
      %parallel_loop3A_574 = vector.shape_cast %parallel_loop3A_573 : vector<1x1x16xf32> to vector<16xf32>
      %parallel_loop3A_575 = arith.constant 2 : i32
      %parallel_loop3A_576 = arith.index_cast %parallel_loop3A_575 : i32 to index
      %parallel_loop3A_577 = arith.index_cast %parallel_loop3A_568 : i32 to index
      %parallel_loop3A_578 = arith.constant 110 : index
      %parallel_loop3A_579 = tpu.vector_load %arg4[%parallel_loop3A_576, %parallel_loop3A_577, %parallel_loop3A_578] {strides = array<i32>} : memref<8x64x126xf32, #tpu.memory_space<vmem>>, vector<1x1x16xf32>,
      %parallel_loop3A_580 = vector.shape_cast %parallel_loop3A_579 : vector<1x1x16xf32> to vector<16xf32>
      %parallel_loop3A_581 = arith.constant 2 : i32
      %parallel_loop3A_582 = arith.index_cast %parallel_loop3A_581 : i32 to index
      %parallel_loop3A_583 = arith.index_cast %parallel_loop3A_568 : i32 to index
      %parallel_loop3A_584 = arith.constant 0 : index
      %parallel_loop3A_585 = tpu.vector_load %arg5[%parallel_loop3A_582, %parallel_loop3A_583, %parallel_loop3A_584] {strides = array<i32>} : memref<8x64x26xf32, #tpu.memory_space<vmem>>, vector<1x1x16xf32>,
      %parallel_loop3A_586 = vector.shape_cast %parallel_loop3A_585 : vector<1x1x16xf32> to vector<16xf32>
      %parallel_loop3A_587 = vector.shape_cast %parallel_loop3A_574 : vector<16xf32> to vector<1x1x16xf32>
      tpu.vector_store %arg5[%parallel_loop3A_582, %parallel_loop3A_583, %parallel_loop3A_584], %parallel_loop3A_587 {strides = array<i32>} : memref<8x64x26xf32, #tpu.memory_space<vmem>>, vector<1x1x16xf32>,
      %parallel_loop3A_588 = arith.constant 2 : i32
      %parallel_loop3A_589 = arith.index_cast %parallel_loop3A_588 : i32 to index
      %parallel_loop3A_590 = arith.index_cast %parallel_loop3A_568 : i32 to index
      %parallel_loop3A_591 = arith.constant 10 : index
      %parallel_loop3A_592 = tpu.vector_load %arg5[%parallel_loop3A_589, %parallel_loop3A_590, %parallel_loop3A_591] {strides = array<i32>} : memref<8x64x26xf32, #tpu.memory_space<vmem>>, vector<1x1x16xf32>,
      %parallel_loop3A_593 = vector.shape_cast %parallel_loop3A_592 : vector<1x1x16xf32> to vector<16xf32>
      %parallel_loop3A_594 = vector.shape_cast %parallel_loop3A_580 : vector<16xf32> to vector<1x1x16xf32>
      tpu.vector_store %arg5[%parallel_loop3A_589, %parallel_loop3A_590, %parallel_loop3A_591], %parallel_loop3A_594 {strides = array<i32>} : memref<8x64x26xf32, #tpu.memory_space<vmem>>, vector<1x1x16xf32>,
    } {sc.loop_unroll_factor = 8 : i64, sc.parallel_access}
    %add3A_237 = arith.constant 128 : i32
    %add3A_238 = arith.addi %mul3A_2, %add3A_237 : i32
    %dma_start3A_239 = arith.constant 2 : i32
    %dma_start3A_240 = arith.constant 2 : i32
    %dma_start3A_241 = arith.constant 0 : i32
    %dma_start3A_242 = arith.constant 0 : i32
    %dma_start3A_243 = tpu.memref_slice %arg5[%dma_start3A_239, %dma_start3A_241, %dma_start3A_242] : memref<8x64x26xf32, #tpu.memory_space<vmem>> -> memref<1x64x26xf32, #tpu.memory_space<vmem>>
    %dma_start3A_244 = tpu.memref_squeeze %dma_start3A_243 : memref<1x64x26xf32, #tpu.memory_space<vmem>> -> memref<64x26xf32, #tpu.memory_space<vmem>>
    %dma_start3A_245 = arith.constant 0 : i32
    %dma_start3A_246 = tpu.memref_slice %arg3[%add3A_238, %dma_start3A_245] : memref<16384x26xf32, #tpu.memory_space<hbm>> -> memref<64x26xf32, #tpu.memory_space<hbm>>
    %dma_start3A_247 = tpu.memref_slice %arg7[%dma_start3A_240] : memref<8x!tpu.dma_semaphore, #tpu.memory_space<semaphore_mem>> -> memref<1x!tpu.dma_semaphore, #tpu.memory_space<semaphore_mem>>
    %dma_start3A_248 = tpu.memref_squeeze %dma_start3A_247 : memref<1x!tpu.dma_semaphore, #tpu.memory_space<semaphore_mem>> -> memref<!tpu.dma_semaphore, #tpu.memory_space<semaphore_mem>>
    %dma_start3A_249 = arith.constant 0 : i32
    %dma_start3A_250 = tpu.memref_slice %arg3[%add3A_238, %dma_start3A_249] : memref<16384x26xf32, #tpu.memory_space<hbm>> -> memref<64x26xf32, #tpu.memory_space<hbm>>
    %dma_start3A_251 = arith.constant 0 : i32
    %dma_start3A_252 = arith.constant 0 : i32
    %dma_start3A_253 = tpu.memref_slice %arg5[%dma_start3A_239, %dma_start3A_251, %dma_start3A_252] : memref<8x64x26xf32, #tpu.memory_space<vmem>> -> memref<1x64x26xf32, #tpu.memory_space<vmem>>
    %dma_start3A_254 = tpu.memref_squeeze %dma_start3A_253 : memref<1x64x26xf32, #tpu.memory_space<vmem>> -> memref<64x26xf32, #tpu.memory_space<vmem>>
    tpu.enqueue_dma source(%dma_start3A_254 : memref<64x26xf32, #tpu.memory_space<vmem>>) target(%dma_start3A_250 : memref<64x26xf32, #tpu.memory_space<hbm>>) target_semaphore(%dma_start3A_248 : memref<!tpu.dma_semaphore, #tpu.memory_space<semaphore_mem>>)
    %dma_wait3A_255 = arith.constant 3 : i32
    %dma_wait3A_256 = arith.constant 3 : i32
    %dma_wait3A_257 = arith.constant 0 : i32
    %dma_wait3A_258 = arith.constant 0 : i32
    %dma_wait3A_259 = tpu.memref_slice %arg4[%dma_wait3A_255, %dma_wait3A_257, %dma_wait3A_258] : memref<8x64x126xf32, #tpu.memory_space<vmem>> -> memref<1x64x126xf32, #tpu.memory_space<vmem>>
    %dma_wait3A_260 = tpu.memref_squeeze %dma_wait3A_259 : memref<1x64x126xf32, #tpu.memory_space<vmem>> -> memref<64x126xf32, #tpu.memory_space<vmem>>
    %dma_wait3A_261 = arith.constant 0 : i32
    %dma_wait3A_262 = tpu.memref_slice %arg2[%add3A_57, %dma_wait3A_261] : memref<16384x126xf32, #tpu.memory_space<hbm>> -> memref<64x126xf32, #tpu.memory_space<hbm>>
    %dma_wait3A_263 = tpu.memref_slice %arg6[%dma_wait3A_256] : memref<8x!tpu.dma_semaphore, #tpu.memory_space<semaphore_mem>> -> memref<1x!tpu.dma_semaphore, #tpu.memory_space<semaphore_mem>>
    %dma_wait3A_264 = tpu.memref_squeeze %dma_wait3A_263 : memref<1x!tpu.dma_semaphore, #tpu.memory_space<semaphore_mem>> -> memref<!tpu.dma_semaphore, #tpu.memory_space<semaphore_mem>>
    %dma_wait3A_265 = arith.constant 0 : i32
    %dma_wait3A_266 = arith.constant 0 : i32
    %dma_wait3A_267 = tpu.memref_slice %arg4[%dma_wait3A_255, %dma_wait3A_265, %dma_wait3A_266] : memref<8x64x126xf32, #tpu.memory_space<vmem>> -> memref<1x64x126xf32, #tpu.memory_space<vmem>>
    %dma_wait3A_268 = tpu.memref_squeeze %dma_wait3A_267 : memref<1x64x126xf32, #tpu.memory_space<vmem>> -> memref<64x126xf32, #tpu.memory_space<vmem>>
    %dma_wait3A_269 = arith.constant 0 : i32
    %dma_wait3A_270 = tpu.memref_slice %arg2[%add3A_57, %dma_wait3A_269] : memref<16384x126xf32, #tpu.memory_space<hbm>> -> memref<64x126xf32, #tpu.memory_space<hbm>>
    tpu.wait_dma2 semaphore(%dma_wait3A_264 : memref<!tpu.dma_semaphore, #tpu.memory_space<semaphore_mem>>) src(%dma_wait3A_270 : memref<64x126xf32, #tpu.memory_space<hbm>>) dst(%dma_wait3A_268 : memref<64x126xf32, #tpu.memory_space<vmem>>)
    %parallel_loop3A_271 = arith.constant 0 : i32
    %parallel_loop3A_272 = arith.constant 64 : i32
    %parallel_loop3A_273 = arith.constant 1 : i32
    scf.for %parallel_loop3A_568 = %parallel_loop3A_271 to %parallel_loop3A_272 step %parallel_loop3A_273  : i32 {
      %parallel_loop3A_569 = arith.constant 3 : i32
      %parallel_loop3A_570 = arith.index_cast %parallel_loop3A_569 : i32 to index
      %parallel_loop3A_571 = arith.index_cast %parallel_loop3A_568 : i32 to index
      %parallel_loop3A_572 = arith.constant 100 : index
      %parallel_loop3A_573 = tpu.vector_load %arg4[%parallel_loop3A_570, %parallel_loop3A_571, %parallel_loop3A_572] {strides = array<i32>} : memref<8x64x126xf32, #tpu.memory_space<vmem>>, vector<1x1x16xf32>,
      %parallel_loop3A_574 = vector.shape_cast %parallel_loop3A_573 : vector<1x1x16xf32> to vector<16xf32>
      %parallel_loop3A_575 = arith.constant 3 : i32
      %parallel_loop3A_576 = arith.index_cast %parallel_loop3A_575 : i32 to index
      %parallel_loop3A_577 = arith.index_cast %parallel_loop3A_568 : i32 to index
      %parallel_loop3A_578 = arith.constant 110 : index
      %parallel_loop3A_579 = tpu.vector_load %arg4[%parallel_loop3A_576, %parallel_loop3A_577, %parallel_loop3A_578] {strides = array<i32>} : memref<8x64x126xf32, #tpu.memory_space<vmem>>, vector<1x1x16xf32>,
      %parallel_loop3A_580 = vector.shape_cast %parallel_loop3A_579 : vector<1x1x16xf32> to vector<16xf32>
      %parallel_loop3A_581 = arith.constant 3 : i32
      %parallel_loop3A_582 = arith.index_cast %parallel_loop3A_581 : i32 to index
      %parallel_loop3A_583 = arith.index_cast %parallel_loop3A_568 : i32 to index
      %parallel_loop3A_584 = arith.constant 0 : index
      %parallel_loop3A_585 = tpu.vector_load %arg5[%parallel_loop3A_582, %parallel_loop3A_583, %parallel_loop3A_584] {strides = array<i32>} : memref<8x64x26xf32, #tpu.memory_space<vmem>>, vector<1x1x16xf32>,
      %parallel_loop3A_586 = vector.shape_cast %parallel_loop3A_585 : vector<1x1x16xf32> to vector<16xf32>
      %parallel_loop3A_587 = vector.shape_cast %parallel_loop3A_574 : vector<16xf32> to vector<1x1x16xf32>
      tpu.vector_store %arg5[%parallel_loop3A_582, %parallel_loop3A_583, %parallel_loop3A_584], %parallel_loop3A_587 {strides = array<i32>} : memref<8x64x26xf32, #tpu.memory_space<vmem>>, vector<1x1x16xf32>,
      %parallel_loop3A_588 = arith.constant 3 : i32
      %parallel_loop3A_589 = arith.index_cast %parallel_loop3A_588 : i32 to index
      %parallel_loop3A_590 = arith.index_cast %parallel_loop3A_568 : i32 to index
      %parallel_loop3A_591 = arith.constant 10 : index
      %parallel_loop3A_592 = tpu.vector_load %arg5[%parallel_loop3A_589, %parallel_loop3A_590, %parallel_loop3A_591] {strides = array<i32>} : memref<8x64x26xf32, #tpu.memory_space<vmem>>, vector<1x1x16xf32>,
      %parallel_loop3A_593 = vector.shape_cast %parallel_loop3A_592 : vector<1x1x16xf32> to vector<16xf32>
      %parallel_loop3A_594 = vector.shape_cast %parallel_loop3A_580 : vector<16xf32> to vector<1x1x16xf32>
      tpu.vector_store %arg5[%parallel_loop3A_589, %parallel_loop3A_590, %parallel_loop3A_591], %parallel_loop3A_594 {strides = array<i32>} : memref<8x64x26xf32, #tpu.memory_space<vmem>>, vector<1x1x16xf32>,
    } {sc.loop_unroll_factor = 8 : i64, sc.parallel_access}
    %add3A_274 = arith.constant 192 : i32
    %add3A_275 = arith.addi %mul3A_2, %add3A_274 : i32
    %dma_start3A_276 = arith.constant 3 : i32
    %dma_start3A_277 = arith.constant 3 : i32
    %dma_start3A_278 = arith.constant 0 : i32
    %dma_start3A_279 = arith.constant 0 : i32
    %dma_start3A_280 = tpu.memref_slice %arg5[%dma_start3A_276, %dma_start3A_278, %dma_start3A_279] : memref<8x64x26xf32, #tpu.memory_space<vmem>> -> memref<1x64x26xf32, #tpu.memory_space<vmem>>
    %dma_start3A_281 = tpu.memref_squeeze %dma_start3A_280 : memref<1x64x26xf32, #tpu.memory_space<vmem>> -> memref<64x26xf32, #tpu.memory_space<vmem>>
    %dma_start3A_282 = arith.constant 0 : i32
    %dma_start3A_283 = tpu.memref_slice %arg3[%add3A_275, %dma_start3A_282] : memref<16384x26xf32, #tpu.memory_space<hbm>> -> memref<64x26xf32, #tpu.memory_space<hbm>>
    %dma_start3A_284 = tpu.memref_slice %arg7[%dma_start3A_277] : memref<8x!tpu.dma_semaphore, #tpu.memory_space<semaphore_mem>> -> memref<1x!tpu.dma_semaphore, #tpu.memory_space<semaphore_mem>>
    %dma_start3A_285 = tpu.memref_squeeze %dma_start3A_284 : memref<1x!tpu.dma_semaphore, #tpu.memory_space<semaphore_mem>> -> memref<!tpu.dma_semaphore, #tpu.memory_space<semaphore_mem>>
    %dma_start3A_286 = arith.constant 0 : i32
    %dma_start3A_287 = tpu.memref_slice %arg3[%add3A_275, %dma_start3A_286] : memref<16384x26xf32, #tpu.memory_space<hbm>> -> memref<64x26xf32, #tpu.memory_space<hbm>>
    %dma_start3A_288 = arith.constant 0 : i32
    %dma_start3A_289 = arith.constant 0 : i32
    %dma_start3A_290 = tpu.memref_slice %arg5[%dma_start3A_276, %dma_start3A_288, %dma_start3A_289] : memref<8x64x26xf32, #tpu.memory_space<vmem>> -> memref<1x64x26xf32, #tpu.memory_space<vmem>>
    %dma_start3A_291 = tpu.memref_squeeze %dma_start3A_290 : memref<1x64x26xf32, #tpu.memory_space<vmem>> -> memref<64x26xf32, #tpu.memory_space<vmem>>
    tpu.enqueue_dma source(%dma_start3A_291 : memref<64x26xf32, #tpu.memory_space<vmem>>) target(%dma_start3A_287 : memref<64x26xf32, #tpu.memory_space<hbm>>) target_semaphore(%dma_start3A_285 : memref<!tpu.dma_semaphore, #tpu.memory_space<semaphore_mem>>)
    %dma_wait3A_292 = arith.constant 4 : i32
    %dma_wait3A_293 = arith.constant 4 : i32
    %dma_wait3A_294 = arith.constant 0 : i32
    %dma_wait3A_295 = arith.constant 0 : i32
    %dma_wait3A_296 = tpu.memref_slice %arg4[%dma_wait3A_292, %dma_wait3A_294, %dma_wait3A_295] : memref<8x64x126xf32, #tpu.memory_space<vmem>> -> memref<1x64x126xf32, #tpu.memory_space<vmem>>
    %dma_wait3A_297 = tpu.memref_squeeze %dma_wait3A_296 : memref<1x64x126xf32, #tpu.memory_space<vmem>> -> memref<64x126xf32, #tpu.memory_space<vmem>>
    %dma_wait3A_298 = arith.constant 0 : i32
    %dma_wait3A_299 = tpu.memref_slice %arg2[%add3A_75, %dma_wait3A_298] : memref<16384x126xf32, #tpu.memory_space<hbm>> -> memref<64x126xf32, #tpu.memory_space<hbm>>
    %dma_wait3A_300 = tpu.memref_slice %arg6[%dma_wait3A_293] : memref<8x!tpu.dma_semaphore, #tpu.memory_space<semaphore_mem>> -> memref<1x!tpu.dma_semaphore, #tpu.memory_space<semaphore_mem>>
    %dma_wait3A_301 = tpu.memref_squeeze %dma_wait3A_300 : memref<1x!tpu.dma_semaphore, #tpu.memory_space<semaphore_mem>> -> memref<!tpu.dma_semaphore, #tpu.memory_space<semaphore_mem>>
    %dma_wait3A_302 = arith.constant 0 : i32
    %dma_wait3A_303 = arith.constant 0 : i32
    %dma_wait3A_304 = tpu.memref_slice %arg4[%dma_wait3A_292, %dma_wait3A_302, %dma_wait3A_303] : memref<8x64x126xf32, #tpu.memory_space<vmem>> -> memref<1x64x126xf32, #tpu.memory_space<vmem>>
    %dma_wait3A_305 = tpu.memref_squeeze %dma_wait3A_304 : memref<1x64x126xf32, #tpu.memory_space<vmem>> -> memref<64x126xf32, #tpu.memory_space<vmem>>
    %dma_wait3A_306 = arith.constant 0 : i32
    %dma_wait3A_307 = tpu.memref_slice %arg2[%add3A_75, %dma_wait3A_306] : memref<16384x126xf32, #tpu.memory_space<hbm>> -> memref<64x126xf32, #tpu.memory_space<hbm>>
    tpu.wait_dma2 semaphore(%dma_wait3A_301 : memref<!tpu.dma_semaphore, #tpu.memory_space<semaphore_mem>>) src(%dma_wait3A_307 : memref<64x126xf32, #tpu.memory_space<hbm>>) dst(%dma_wait3A_305 : memref<64x126xf32, #tpu.memory_space<vmem>>)
    %parallel_loop3A_308 = arith.constant 0 : i32
    %parallel_loop3A_309 = arith.constant 64 : i32
    %parallel_loop3A_310 = arith.constant 1 : i32
    scf.for %parallel_loop3A_568 = %parallel_loop3A_308 to %parallel_loop3A_309 step %parallel_loop3A_310  : i32 {
      %parallel_loop3A_569 = arith.constant 4 : i32
      %parallel_loop3A_570 = arith.index_cast %parallel_loop3A_569 : i32 to index
      %parallel_loop3A_571 = arith.index_cast %parallel_loop3A_568 : i32 to index
      %parallel_loop3A_572 = arith.constant 100 : index
      %parallel_loop3A_573 = tpu.vector_load %arg4[%parallel_loop3A_570, %parallel_loop3A_571, %parallel_loop3A_572] {strides = array<i32>} : memref<8x64x126xf32, #tpu.memory_space<vmem>>, vector<1x1x16xf32>,
      %parallel_loop3A_574 = vector.shape_cast %parallel_loop3A_573 : vector<1x1x16xf32> to vector<16xf32>
      %parallel_loop3A_575 = arith.constant 4 : i32
      %parallel_loop3A_576 = arith.index_cast %parallel_loop3A_575 : i32 to index
      %parallel_loop3A_577 = arith.index_cast %parallel_loop3A_568 : i32 to index
      %parallel_loop3A_578 = arith.constant 110 : index
      %parallel_loop3A_579 = tpu.vector_load %arg4[%parallel_loop3A_576, %parallel_loop3A_577, %parallel_loop3A_578] {strides = array<i32>} : memref<8x64x126xf32, #tpu.memory_space<vmem>>, vector<1x1x16xf32>,
      %parallel_loop3A_580 = vector.shape_cast %parallel_loop3A_579 : vector<1x1x16xf32> to vector<16xf32>
      %parallel_loop3A_581 = arith.constant 4 : i32
      %parallel_loop3A_582 = arith.index_cast %parallel_loop3A_581 : i32 to index
      %parallel_loop3A_583 = arith.index_cast %parallel_loop3A_568 : i32 to index
      %parallel_loop3A_584 = arith.constant 0 : index
      %parallel_loop3A_585 = tpu.vector_load %arg5[%parallel_loop3A_582, %parallel_loop3A_583, %parallel_loop3A_584] {strides = array<i32>} : memref<8x64x26xf32, #tpu.memory_space<vmem>>, vector<1x1x16xf32>,
      %parallel_loop3A_586 = vector.shape_cast %parallel_loop3A_585 : vector<1x1x16xf32> to vector<16xf32>
      %parallel_loop3A_587 = vector.shape_cast %parallel_loop3A_574 : vector<16xf32> to vector<1x1x16xf32>
      tpu.vector_store %arg5[%parallel_loop3A_582, %parallel_loop3A_583, %parallel_loop3A_584], %parallel_loop3A_587 {strides = array<i32>} : memref<8x64x26xf32, #tpu.memory_space<vmem>>, vector<1x1x16xf32>,
      %parallel_loop3A_588 = arith.constant 4 : i32
      %parallel_loop3A_589 = arith.index_cast %parallel_loop3A_588 : i32 to index
      %parallel_loop3A_590 = arith.index_cast %parallel_loop3A_568 : i32 to index
      %parallel_loop3A_591 = arith.constant 10 : index
      %parallel_loop3A_592 = tpu.vector_load %arg5[%parallel_loop3A_589, %parallel_loop3A_590, %parallel_loop3A_591] {strides = array<i32>} : memref<8x64x26xf32, #tpu.memory_space<vmem>>, vector<1x1x16xf32>,
      %parallel_loop3A_593 = vector.shape_cast %parallel_loop3A_592 : vector<1x1x16xf32> to vector<16xf32>
      %parallel_loop3A_594 = vector.shape_cast %parallel_loop3A_580 : vector<16xf32> to vector<1x1x16xf32>
      tpu.vector_store %arg5[%parallel_loop3A_589, %parallel_loop3A_590, %parallel_loop3A_591], %parallel_loop3A_594 {strides = array<i32>} : memref<8x64x26xf32, #tpu.memory_space<vmem>>, vector<1x1x16xf32>,
    } {sc.loop_unroll_factor = 8 : i64, sc.parallel_access}
    %add3A_311 = arith.constant 256 : i32
    %add3A_312 = arith.addi %mul3A_2, %add3A_311 : i32
    %dma_start3A_313 = arith.constant 4 : i32
    %dma_start3A_314 = arith.constant 4 : i32
    %dma_start3A_315 = arith.constant 0 : i32
    %dma_start3A_316 = arith.constant 0 : i32
    %dma_start3A_317 = tpu.memref_slice %arg5[%dma_start3A_313, %dma_start3A_315, %dma_start3A_316] : memref<8x64x26xf32, #tpu.memory_space<vmem>> -> memref<1x64x26xf32, #tpu.memory_space<vmem>>
    %dma_start3A_318 = tpu.memref_squeeze %dma_start3A_317 : memref<1x64x26xf32, #tpu.memory_space<vmem>> -> memref<64x26xf32, #tpu.memory_space<vmem>>
    %dma_start3A_319 = arith.constant 0 : i32
    %dma_start3A_320 = tpu.memref_slice %arg3[%add3A_312, %dma_start3A_319] : memref<16384x26xf32, #tpu.memory_space<hbm>> -> memref<64x26xf32, #tpu.memory_space<hbm>>
    %dma_start3A_321 = tpu.memref_slice %arg7[%dma_start3A_314] : memref<8x!tpu.dma_semaphore, #tpu.memory_space<semaphore_mem>> -> memref<1x!tpu.dma_semaphore, #tpu.memory_space<semaphore_mem>>
    %dma_start3A_322 = tpu.memref_squeeze %dma_start3A_321 : memref<1x!tpu.dma_semaphore, #tpu.memory_space<semaphore_mem>> -> memref<!tpu.dma_semaphore, #tpu.memory_space<semaphore_mem>>
    %dma_start3A_323 = arith.constant 0 : i32
    %dma_start3A_324 = tpu.memref_slice %arg3[%add3A_312, %dma_start3A_323] : memref<16384x26xf32, #tpu.memory_space<hbm>> -> memref<64x26xf32, #tpu.memory_space<hbm>>
    %dma_start3A_325 = arith.constant 0 : i32
    %dma_start3A_326 = arith.constant 0 : i32
    %dma_start3A_327 = tpu.memref_slice %arg5[%dma_start3A_313, %dma_start3A_325, %dma_start3A_326] : memref<8x64x26xf32, #tpu.memory_space<vmem>> -> memref<1x64x26xf32, #tpu.memory_space<vmem>>
    %dma_start3A_328 = tpu.memref_squeeze %dma_start3A_327 : memref<1x64x26xf32, #tpu.memory_space<vmem>> -> memref<64x26xf32, #tpu.memory_space<vmem>>
    tpu.enqueue_dma source(%dma_start3A_328 : memref<64x26xf32, #tpu.memory_space<vmem>>) target(%dma_start3A_324 : memref<64x26xf32, #tpu.memory_space<hbm>>) target_semaphore(%dma_start3A_322 : memref<!tpu.dma_semaphore, #tpu.memory_space<semaphore_mem>>)
    %dma_wait3A_329 = arith.constant 5 : i32
    %dma_wait3A_330 = arith.constant 5 : i32
    %dma_wait3A_331 = arith.constant 0 : i32
    %dma_wait3A_332 = arith.constant 0 : i32
    %dma_wait3A_333 = tpu.memref_slice %arg4[%dma_wait3A_329, %dma_wait3A_331, %dma_wait3A_332] : memref<8x64x126xf32, #tpu.memory_space<vmem>> -> memref<1x64x126xf32, #tpu.memory_space<vmem>>
    %dma_wait3A_334 = tpu.memref_squeeze %dma_wait3A_333 : memref<1x64x126xf32, #tpu.memory_space<vmem>> -> memref<64x126xf32, #tpu.memory_space<vmem>>
    %dma_wait3A_335 = arith.constant 0 : i32
    %dma_wait3A_336 = tpu.memref_slice %arg2[%add3A_93, %dma_wait3A_335] : memref<16384x126xf32, #tpu.memory_space<hbm>> -> memref<64x126xf32, #tpu.memory_space<hbm>>
    %dma_wait3A_337 = tpu.memref_slice %arg6[%dma_wait3A_330] : memref<8x!tpu.dma_semaphore, #tpu.memory_space<semaphore_mem>> -> memref<1x!tpu.dma_semaphore, #tpu.memory_space<semaphore_mem>>
    %dma_wait3A_338 = tpu.memref_squeeze %dma_wait3A_337 : memref<1x!tpu.dma_semaphore, #tpu.memory_space<semaphore_mem>> -> memref<!tpu.dma_semaphore, #tpu.memory_space<semaphore_mem>>
    %dma_wait3A_339 = arith.constant 0 : i32
    %dma_wait3A_340 = arith.constant 0 : i32
    %dma_wait3A_341 = tpu.memref_slice %arg4[%dma_wait3A_329, %dma_wait3A_339, %dma_wait3A_340] : memref<8x64x126xf32, #tpu.memory_space<vmem>> -> memref<1x64x126xf32, #tpu.memory_space<vmem>>
    %dma_wait3A_342 = tpu.memref_squeeze %dma_wait3A_341 : memref<1x64x126xf32, #tpu.memory_space<vmem>> -> memref<64x126xf32, #tpu.memory_space<vmem>>
    %dma_wait3A_343 = arith.constant 0 : i32
    %dma_wait3A_344 = tpu.memref_slice %arg2[%add3A_93, %dma_wait3A_343] : memref<16384x126xf32, #tpu.memory_space<hbm>> -> memref<64x126xf32, #tpu.memory_space<hbm>>
    tpu.wait_dma2 semaphore(%dma_wait3A_338 : memref<!tpu.dma_semaphore, #tpu.memory_space<semaphore_mem>>) src(%dma_wait3A_344 : memref<64x126xf32, #tpu.memory_space<hbm>>) dst(%dma_wait3A_342 : memref<64x126xf32, #tpu.memory_space<vmem>>)
    %parallel_loop3A_345 = arith.constant 0 : i32
    %parallel_loop3A_346 = arith.constant 64 : i32
    %parallel_loop3A_347 = arith.constant 1 : i32
    scf.for %parallel_loop3A_568 = %parallel_loop3A_345 to %parallel_loop3A_346 step %parallel_loop3A_347  : i32 {
      %parallel_loop3A_569 = arith.constant 5 : i32
      %parallel_loop3A_570 = arith.index_cast %parallel_loop3A_569 : i32 to index
      %parallel_loop3A_571 = arith.index_cast %parallel_loop3A_568 : i32 to index
      %parallel_loop3A_572 = arith.constant 100 : index
      %parallel_loop3A_573 = tpu.vector_load %arg4[%parallel_loop3A_570, %parallel_loop3A_571, %parallel_loop3A_572] {strides = array<i32>} : memref<8x64x126xf32, #tpu.memory_space<vmem>>, vector<1x1x16xf32>,
      %parallel_loop3A_574 = vector.shape_cast %parallel_loop3A_573 : vector<1x1x16xf32> to vector<16xf32>
      %parallel_loop3A_575 = arith.constant 5 : i32
      %parallel_loop3A_576 = arith.index_cast %parallel_loop3A_575 : i32 to index
      %parallel_loop3A_577 = arith.index_cast %parallel_loop3A_568 : i32 to index
      %parallel_loop3A_578 = arith.constant 110 : index
      %parallel_loop3A_579 = tpu.vector_load %arg4[%parallel_loop3A_576, %parallel_loop3A_577, %parallel_loop3A_578] {strides = array<i32>} : memref<8x64x126xf32, #tpu.memory_space<vmem>>, vector<1x1x16xf32>,
      %parallel_loop3A_580 = vector.shape_cast %parallel_loop3A_579 : vector<1x1x16xf32> to vector<16xf32>
      %parallel_loop3A_581 = arith.constant 5 : i32
      %parallel_loop3A_582 = arith.index_cast %parallel_loop3A_581 : i32 to index
      %parallel_loop3A_583 = arith.index_cast %parallel_loop3A_568 : i32 to index
      %parallel_loop3A_584 = arith.constant 0 : index
      %parallel_loop3A_585 = tpu.vector_load %arg5[%parallel_loop3A_582, %parallel_loop3A_583, %parallel_loop3A_584] {strides = array<i32>} : memref<8x64x26xf32, #tpu.memory_space<vmem>>, vector<1x1x16xf32>,
      %parallel_loop3A_586 = vector.shape_cast %parallel_loop3A_585 : vector<1x1x16xf32> to vector<16xf32>
      %parallel_loop3A_587 = vector.shape_cast %parallel_loop3A_574 : vector<16xf32> to vector<1x1x16xf32>
      tpu.vector_store %arg5[%parallel_loop3A_582, %parallel_loop3A_583, %parallel_loop3A_584], %parallel_loop3A_587 {strides = array<i32>} : memref<8x64x26xf32, #tpu.memory_space<vmem>>, vector<1x1x16xf32>,
      %parallel_loop3A_588 = arith.constant 5 : i32
      %parallel_loop3A_589 = arith.index_cast %parallel_loop3A_588 : i32 to index
      %parallel_loop3A_590 = arith.index_cast %parallel_loop3A_568 : i32 to index
      %parallel_loop3A_591 = arith.constant 10 : index
      %parallel_loop3A_592 = tpu.vector_load %arg5[%parallel_loop3A_589, %parallel_loop3A_590, %parallel_loop3A_591] {strides = array<i32>} : memref<8x64x26xf32, #tpu.memory_space<vmem>>, vector<1x1x16xf32>,
      %parallel_loop3A_593 = vector.shape_cast %parallel_loop3A_592 : vector<1x1x16xf32> to vector<16xf32>
      %parallel_loop3A_594 = vector.shape_cast %parallel_loop3A_580 : vector<16xf32> to vector<1x1x16xf32>
      tpu.vector_store %arg5[%parallel_loop3A_589, %parallel_loop3A_590, %parallel_loop3A_591], %parallel_loop3A_594 {strides = array<i32>} : memref<8x64x26xf32, #tpu.memory_space<vmem>>, vector<1x1x16xf32>,
    } {sc.loop_unroll_factor = 8 : i64, sc.parallel_access}
    %add3A_348 = arith.constant 320 : i32
    %add3A_349 = arith.addi %mul3A_2, %add3A_348 : i32
    %dma_start3A_350 = arith.constant 5 : i32
    %dma_start3A_351 = arith.constant 5 : i32
    %dma_start3A_352 = arith.constant 0 : i32
    %dma_start3A_353 = arith.constant 0 : i32
    %dma_start3A_354 = tpu.memref_slice %arg5[%dma_start3A_350, %dma_start3A_352, %dma_start3A_353] : memref<8x64x26xf32, #tpu.memory_space<vmem>> -> memref<1x64x26xf32, #tpu.memory_space<vmem>>
    %dma_start3A_355 = tpu.memref_squeeze %dma_start3A_354 : memref<1x64x26xf32, #tpu.memory_space<vmem>> -> memref<64x26xf32, #tpu.memory_space<vmem>>
    %dma_start3A_356 = arith.constant 0 : i32
    %dma_start3A_357 = tpu.memref_slice %arg3[%add3A_349, %dma_start3A_356] : memref<16384x26xf32, #tpu.memory_space<hbm>> -> memref<64x26xf32, #tpu.memory_space<hbm>>
    %dma_start3A_358 = tpu.memref_slice %arg7[%dma_start3A_351] : memref<8x!tpu.dma_semaphore, #tpu.memory_space<semaphore_mem>> -> memref<1x!tpu.dma_semaphore, #tpu.memory_space<semaphore_mem>>
    %dma_start3A_359 = tpu.memref_squeeze %dma_start3A_358 : memref<1x!tpu.dma_semaphore, #tpu.memory_space<semaphore_mem>> -> memref<!tpu.dma_semaphore, #tpu.memory_space<semaphore_mem>>
    %dma_start3A_360 = arith.constant 0 : i32
    %dma_start3A_361 = tpu.memref_slice %arg3[%add3A_349, %dma_start3A_360] : memref<16384x26xf32, #tpu.memory_space<hbm>> -> memref<64x26xf32, #tpu.memory_space<hbm>>
    %dma_start3A_362 = arith.constant 0 : i32
    %dma_start3A_363 = arith.constant 0 : i32
    %dma_start3A_364 = tpu.memref_slice %arg5[%dma_start3A_350, %dma_start3A_362, %dma_start3A_363] : memref<8x64x26xf32, #tpu.memory_space<vmem>> -> memref<1x64x26xf32, #tpu.memory_space<vmem>>
    %dma_start3A_365 = tpu.memref_squeeze %dma_start3A_364 : memref<1x64x26xf32, #tpu.memory_space<vmem>> -> memref<64x26xf32, #tpu.memory_space<vmem>>
    tpu.enqueue_dma source(%dma_start3A_365 : memref<64x26xf32, #tpu.memory_space<vmem>>) target(%dma_start3A_361 : memref<64x26xf32, #tpu.memory_space<hbm>>) target_semaphore(%dma_start3A_359 : memref<!tpu.dma_semaphore, #tpu.memory_space<semaphore_mem>>)
    %dma_wait3A_366 = arith.constant 6 : i32
    %dma_wait3A_367 = arith.constant 6 : i32
    %dma_wait3A_368 = arith.constant 0 : i32
    %dma_wait3A_369 = arith.constant 0 : i32
    %dma_wait3A_370 = tpu.memref_slice %arg4[%dma_wait3A_366, %dma_wait3A_368, %dma_wait3A_369] : memref<8x64x126xf32, #tpu.memory_space<vmem>> -> memref<1x64x126xf32, #tpu.memory_space<vmem>>
    %dma_wait3A_371 = tpu.memref_squeeze %dma_wait3A_370 : memref<1x64x126xf32, #tpu.memory_space<vmem>> -> memref<64x126xf32, #tpu.memory_space<vmem>>
    %dma_wait3A_372 = arith.constant 0 : i32
    %dma_wait3A_373 = tpu.memref_slice %arg2[%add3A_111, %dma_wait3A_372] : memref<16384x126xf32, #tpu.memory_space<hbm>> -> memref<64x126xf32, #tpu.memory_space<hbm>>
    %dma_wait3A_374 = tpu.memref_slice %arg6[%dma_wait3A_367] : memref<8x!tpu.dma_semaphore, #tpu.memory_space<semaphore_mem>> -> memref<1x!tpu.dma_semaphore, #tpu.memory_space<semaphore_mem>>
    %dma_wait3A_375 = tpu.memref_squeeze %dma_wait3A_374 : memref<1x!tpu.dma_semaphore, #tpu.memory_space<semaphore_mem>> -> memref<!tpu.dma_semaphore, #tpu.memory_space<semaphore_mem>>
    %dma_wait3A_376 = arith.constant 0 : i32
    %dma_wait3A_377 = arith.constant 0 : i32
    %dma_wait3A_378 = tpu.memref_slice %arg4[%dma_wait3A_366, %dma_wait3A_376, %dma_wait3A_377] : memref<8x64x126xf32, #tpu.memory_space<vmem>> -> memref<1x64x126xf32, #tpu.memory_space<vmem>>
    %dma_wait3A_379 = tpu.memref_squeeze %dma_wait3A_378 : memref<1x64x126xf32, #tpu.memory_space<vmem>> -> memref<64x126xf32, #tpu.memory_space<vmem>>
    %dma_wait3A_380 = arith.constant 0 : i32
    %dma_wait3A_381 = tpu.memref_slice %arg2[%add3A_111, %dma_wait3A_380] : memref<16384x126xf32, #tpu.memory_space<hbm>> -> memref<64x126xf32, #tpu.memory_space<hbm>>
    tpu.wait_dma2 semaphore(%dma_wait3A_375 : memref<!tpu.dma_semaphore, #tpu.memory_space<semaphore_mem>>) src(%dma_wait3A_381 : memref<64x126xf32, #tpu.memory_space<hbm>>) dst(%dma_wait3A_379 : memref<64x126xf32, #tpu.memory_space<vmem>>)
    %parallel_loop3A_382 = arith.constant 0 : i32
    %parallel_loop3A_383 = arith.constant 64 : i32
    %parallel_loop3A_384 = arith.constant 1 : i32
    scf.for %parallel_loop3A_568 = %parallel_loop3A_382 to %parallel_loop3A_383 step %parallel_loop3A_384  : i32 {
      %parallel_loop3A_569 = arith.constant 6 : i32
      %parallel_loop3A_570 = arith.index_cast %parallel_loop3A_569 : i32 to index
      %parallel_loop3A_571 = arith.index_cast %parallel_loop3A_568 : i32 to index
      %parallel_loop3A_572 = arith.constant 100 : index
      %parallel_loop3A_573 = tpu.vector_load %arg4[%parallel_loop3A_570, %parallel_loop3A_571, %parallel_loop3A_572] {strides = array<i32>} : memref<8x64x126xf32, #tpu.memory_space<vmem>>, vector<1x1x16xf32>,
      %parallel_loop3A_574 = vector.shape_cast %parallel_loop3A_573 : vector<1x1x16xf32> to vector<16xf32>
      %parallel_loop3A_575 = arith.constant 6 : i32
      %parallel_loop3A_576 = arith.index_cast %parallel_loop3A_575 : i32 to index
      %parallel_loop3A_577 = arith.index_cast %parallel_loop3A_568 : i32 to index
      %parallel_loop3A_578 = arith.constant 110 : index
      %parallel_loop3A_579 = tpu.vector_load %arg4[%parallel_loop3A_576, %parallel_loop3A_577, %parallel_loop3A_578] {strides = array<i32>} : memref<8x64x126xf32, #tpu.memory_space<vmem>>, vector<1x1x16xf32>,
      %parallel_loop3A_580 = vector.shape_cast %parallel_loop3A_579 : vector<1x1x16xf32> to vector<16xf32>
      %parallel_loop3A_581 = arith.constant 6 : i32
      %parallel_loop3A_582 = arith.index_cast %parallel_loop3A_581 : i32 to index
      %parallel_loop3A_583 = arith.index_cast %parallel_loop3A_568 : i32 to index
      %parallel_loop3A_584 = arith.constant 0 : index
      %parallel_loop3A_585 = tpu.vector_load %arg5[%parallel_loop3A_582, %parallel_loop3A_583, %parallel_loop3A_584] {strides = array<i32>} : memref<8x64x26xf32, #tpu.memory_space<vmem>>, vector<1x1x16xf32>,
      %parallel_loop3A_586 = vector.shape_cast %parallel_loop3A_585 : vector<1x1x16xf32> to vector<16xf32>
      %parallel_loop3A_587 = vector.shape_cast %parallel_loop3A_574 : vector<16xf32> to vector<1x1x16xf32>
      tpu.vector_store %arg5[%parallel_loop3A_582, %parallel_loop3A_583, %parallel_loop3A_584], %parallel_loop3A_587 {strides = array<i32>} : memref<8x64x26xf32, #tpu.memory_space<vmem>>, vector<1x1x16xf32>,
      %parallel_loop3A_588 = arith.constant 6 : i32
      %parallel_loop3A_589 = arith.index_cast %parallel_loop3A_588 : i32 to index
      %parallel_loop3A_590 = arith.index_cast %parallel_loop3A_568 : i32 to index
      %parallel_loop3A_591 = arith.constant 10 : index
      %parallel_loop3A_592 = tpu.vector_load %arg5[%parallel_loop3A_589, %parallel_loop3A_590, %parallel_loop3A_591] {strides = array<i32>} : memref<8x64x26xf32, #tpu.memory_space<vmem>>, vector<1x1x16xf32>,
      %parallel_loop3A_593 = vector.shape_cast %parallel_loop3A_592 : vector<1x1x16xf32> to vector<16xf32>
      %parallel_loop3A_594 = vector.shape_cast %parallel_loop3A_580 : vector<16xf32> to vector<1x1x16xf32>
      tpu.vector_store %arg5[%parallel_loop3A_589, %parallel_loop3A_590, %parallel_loop3A_591], %parallel_loop3A_594 {strides = array<i32>} : memref<8x64x26xf32, #tpu.memory_space<vmem>>, vector<1x1x16xf32>,
    } {sc.loop_unroll_factor = 8 : i64, sc.parallel_access}
    %add3A_385 = arith.constant 384 : i32
    %add3A_386 = arith.addi %mul3A_2, %add3A_385 : i32
    %dma_start3A_387 = arith.constant 6 : i32
    %dma_start3A_388 = arith.constant 6 : i32
    %dma_start3A_389 = arith.constant 0 : i32
    %dma_start3A_390 = arith.constant 0 : i32
    %dma_start3A_391 = tpu.memref_slice %arg5[%dma_start3A_387, %dma_start3A_389, %dma_start3A_390] : memref<8x64x26xf32, #tpu.memory_space<vmem>> -> memref<1x64x26xf32, #tpu.memory_space<vmem>>
    %dma_start3A_392 = tpu.memref_squeeze %dma_start3A_391 : memref<1x64x26xf32, #tpu.memory_space<vmem>> -> memref<64x26xf32, #tpu.memory_space<vmem>>
    %dma_start3A_393 = arith.constant 0 : i32
    %dma_start3A_394 = tpu.memref_slice %arg3[%add3A_386, %dma_start3A_393] : memref<16384x26xf32, #tpu.memory_space<hbm>> -> memref<64x26xf32, #tpu.memory_space<hbm>>
    %dma_start3A_395 = tpu.memref_slice %arg7[%dma_start3A_388] : memref<8x!tpu.dma_semaphore, #tpu.memory_space<semaphore_mem>> -> memref<1x!tpu.dma_semaphore, #tpu.memory_space<semaphore_mem>>
    %dma_start3A_396 = tpu.memref_squeeze %dma_start3A_395 : memref<1x!tpu.dma_semaphore, #tpu.memory_space<semaphore_mem>> -> memref<!tpu.dma_semaphore, #tpu.memory_space<semaphore_mem>>
    %dma_start3A_397 = arith.constant 0 : i32
    %dma_start3A_398 = tpu.memref_slice %arg3[%add3A_386, %dma_start3A_397] : memref<16384x26xf32, #tpu.memory_space<hbm>> -> memref<64x26xf32, #tpu.memory_space<hbm>>
    %dma_start3A_399 = arith.constant 0 : i32
    %dma_start3A_400 = arith.constant 0 : i32
    %dma_start3A_401 = tpu.memref_slice %arg5[%dma_start3A_387, %dma_start3A_399, %dma_start3A_400] : memref<8x64x26xf32, #tpu.memory_space<vmem>> -> memref<1x64x26xf32, #tpu.memory_space<vmem>>
    %dma_start3A_402 = tpu.memref_squeeze %dma_start3A_401 : memref<1x64x26xf32, #tpu.memory_space<vmem>> -> memref<64x26xf32, #tpu.memory_space<vmem>>
    tpu.enqueue_dma source(%dma_start3A_402 : memref<64x26xf32, #tpu.memory_space<vmem>>) target(%dma_start3A_398 : memref<64x26xf32, #tpu.memory_space<hbm>>) target_semaphore(%dma_start3A_396 : memref<!tpu.dma_semaphore, #tpu.memory_space<semaphore_mem>>)
    %dma_wait3A_403 = arith.constant 7 : i32
    %dma_wait3A_404 = arith.constant 7 : i32
    %dma_wait3A_405 = arith.constant 0 : i32
    %dma_wait3A_406 = arith.constant 0 : i32
    %dma_wait3A_407 = tpu.memref_slice %arg4[%dma_wait3A_403, %dma_wait3A_405, %dma_wait3A_406] : memref<8x64x126xf32, #tpu.memory_space<vmem>> -> memref<1x64x126xf32, #tpu.memory_space<vmem>>
    %dma_wait3A_408 = tpu.memref_squeeze %dma_wait3A_407 : memref<1x64x126xf32, #tpu.memory_space<vmem>> -> memref<64x126xf32, #tpu.memory_space<vmem>>
    %dma_wait3A_409 = arith.constant 0 : i32
    %dma_wait3A_410 = tpu.memref_slice %arg2[%add3A_129, %dma_wait3A_409] : memref<16384x126xf32, #tpu.memory_space<hbm>> -> memref<64x126xf32, #tpu.memory_space<hbm>>
    %dma_wait3A_411 = tpu.memref_slice %arg6[%dma_wait3A_404] : memref<8x!tpu.dma_semaphore, #tpu.memory_space<semaphore_mem>> -> memref<1x!tpu.dma_semaphore, #tpu.memory_space<semaphore_mem>>
    %dma_wait3A_412 = tpu.memref_squeeze %dma_wait3A_411 : memref<1x!tpu.dma_semaphore, #tpu.memory_space<semaphore_mem>> -> memref<!tpu.dma_semaphore, #tpu.memory_space<semaphore_mem>>
    %dma_wait3A_413 = arith.constant 0 : i32
    %dma_wait3A_414 = arith.constant 0 : i32
    %dma_wait3A_415 = tpu.memref_slice %arg4[%dma_wait3A_403, %dma_wait3A_413, %dma_wait3A_414] : memref<8x64x126xf32, #tpu.memory_space<vmem>> -> memref<1x64x126xf32, #tpu.memory_space<vmem>>
    %dma_wait3A_416 = tpu.memref_squeeze %dma_wait3A_415 : memref<1x64x126xf32, #tpu.memory_space<vmem>> -> memref<64x126xf32, #tpu.memory_space<vmem>>
    %dma_wait3A_417 = arith.constant 0 : i32
    %dma_wait3A_418 = tpu.memref_slice %arg2[%add3A_129, %dma_wait3A_417] : memref<16384x126xf32, #tpu.memory_space<hbm>> -> memref<64x126xf32, #tpu.memory_space<hbm>>
    tpu.wait_dma2 semaphore(%dma_wait3A_412 : memref<!tpu.dma_semaphore, #tpu.memory_space<semaphore_mem>>) src(%dma_wait3A_418 : memref<64x126xf32, #tpu.memory_space<hbm>>) dst(%dma_wait3A_416 : memref<64x126xf32, #tpu.memory_space<vmem>>)
    %parallel_loop3A_419 = arith.constant 0 : i32
    %parallel_loop3A_420 = arith.constant 64 : i32
    %parallel_loop3A_421 = arith.constant 1 : i32
    scf.for %parallel_loop3A_568 = %parallel_loop3A_419 to %parallel_loop3A_420 step %parallel_loop3A_421  : i32 {
      %parallel_loop3A_569 = arith.constant 7 : i32
      %parallel_loop3A_570 = arith.index_cast %parallel_loop3A_569 : i32 to index
      %parallel_loop3A_571 = arith.index_cast %parallel_loop3A_568 : i32 to index
      %parallel_loop3A_572 = arith.constant 100 : index
      %parallel_loop3A_573 = tpu.vector_load %arg4[%parallel_loop3A_570, %parallel_loop3A_571, %parallel_loop3A_572] {strides = array<i32>} : memref<8x64x126xf32, #tpu.memory_space<vmem>>, vector<1x1x16xf32>,
      %parallel_loop3A_574 = vector.shape_cast %parallel_loop3A_573 : vector<1x1x16xf32> to vector<16xf32>
      %parallel_loop3A_575 = arith.constant 7 : i32
      %parallel_loop3A_576 = arith.index_cast %parallel_loop3A_575 : i32 to index
      %parallel_loop3A_577 = arith.index_cast %parallel_loop3A_568 : i32 to index
      %parallel_loop3A_578 = arith.constant 110 : index
      %parallel_loop3A_579 = tpu.vector_load %arg4[%parallel_loop3A_576, %parallel_loop3A_577, %parallel_loop3A_578] {strides = array<i32>} : memref<8x64x126xf32, #tpu.memory_space<vmem>>, vector<1x1x16xf32>,
      %parallel_loop3A_580 = vector.shape_cast %parallel_loop3A_579 : vector<1x1x16xf32> to vector<16xf32>
      %parallel_loop3A_581 = arith.constant 7 : i32
      %parallel_loop3A_582 = arith.index_cast %parallel_loop3A_581 : i32 to index
      %parallel_loop3A_583 = arith.index_cast %parallel_loop3A_568 : i32 to index
      %parallel_loop3A_584 = arith.constant 0 : index
      %parallel_loop3A_585 = tpu.vector_load %arg5[%parallel_loop3A_582, %parallel_loop3A_583, %parallel_loop3A_584] {strides = array<i32>} : memref<8x64x26xf32, #tpu.memory_space<vmem>>, vector<1x1x16xf32>,
      %parallel_loop3A_586 = vector.shape_cast %parallel_loop3A_585 : vector<1x1x16xf32> to vector<16xf32>
      %parallel_loop3A_587 = vector.shape_cast %parallel_loop3A_574 : vector<16xf32> to vector<1x1x16xf32>
      tpu.vector_store %arg5[%parallel_loop3A_582, %parallel_loop3A_583, %parallel_loop3A_584], %parallel_loop3A_587 {strides = array<i32>} : memref<8x64x26xf32, #tpu.memory_space<vmem>>, vector<1x1x16xf32>,
      %parallel_loop3A_588 = arith.constant 7 : i32
      %parallel_loop3A_589 = arith.index_cast %parallel_loop3A_588 : i32 to index
      %parallel_loop3A_590 = arith.index_cast %parallel_loop3A_568 : i32 to index
      %parallel_loop3A_591 = arith.constant 10 : index
      %parallel_loop3A_592 = tpu.vector_load %arg5[%parallel_loop3A_589, %parallel_loop3A_590, %parallel_loop3A_591] {strides = array<i32>} : memref<8x64x26xf32, #tpu.memory_space<vmem>>, vector<1x1x16xf32>,
      %parallel_loop3A_593 = vector.shape_cast %parallel_loop3A_592 : vector<1x1x16xf32> to vector<16xf32>
      %parallel_loop3A_594 = vector.shape_cast %parallel_loop3A_580 : vector<16xf32> to vector<1x1x16xf32>
      tpu.vector_store %arg5[%parallel_loop3A_589, %parallel_loop3A_590, %parallel_loop3A_591], %parallel_loop3A_594 {strides = array<i32>} : memref<8x64x26xf32, #tpu.memory_space<vmem>>, vector<1x1x16xf32>,
    } {sc.loop_unroll_factor = 8 : i64, sc.parallel_access}
    %add3A_422 = arith.constant 448 : i32
    %add3A_423 = arith.addi %mul3A_2, %add3A_422 : i32
    %dma_start3A_424 = arith.constant 7 : i32
    %dma_start3A_425 = arith.constant 7 : i32
    %dma_start3A_426 = arith.constant 0 : i32
    %dma_start3A_427 = arith.constant 0 : i32
    %dma_start3A_428 = tpu.memref_slice %arg5[%dma_start3A_424, %dma_start3A_426, %dma_start3A_427] : memref<8x64x26xf32, #tpu.memory_space<vmem>> -> memref<1x64x26xf32, #tpu.memory_space<vmem>>
    %dma_start3A_429 = tpu.memref_squeeze %dma_start3A_428 : memref<1x64x26xf32, #tpu.memory_space<vmem>> -> memref<64x26xf32, #tpu.memory_space<vmem>>
    %dma_start3A_430 = arith.constant 0 : i32
    %dma_start3A_431 = tpu.memref_slice %arg3[%add3A_423, %dma_start3A_430] : memref<16384x26xf32, #tpu.memory_space<hbm>> -> memref<64x26xf32, #tpu.memory_space<hbm>>
    %dma_start3A_432 = tpu.memref_slice %arg7[%dma_start3A_425] : memref<8x!tpu.dma_semaphore, #tpu.memory_space<semaphore_mem>> -> memref<1x!tpu.dma_semaphore, #tpu.memory_space<semaphore_mem>>
    %dma_start3A_433 = tpu.memref_squeeze %dma_start3A_432 : memref<1x!tpu.dma_semaphore, #tpu.memory_space<semaphore_mem>> -> memref<!tpu.dma_semaphore, #tpu.memory_space<semaphore_mem>>
    %dma_start3A_434 = arith.constant 0 : i32
    %dma_start3A_435 = tpu.memref_slice %arg3[%add3A_423, %dma_start3A_434] : memref<16384x26xf32, #tpu.memory_space<hbm>> -> memref<64x26xf32, #tpu.memory_space<hbm>>
    %dma_start3A_436 = arith.constant 0 : i32
    %dma_start3A_437 = arith.constant 0 : i32
    %dma_start3A_438 = tpu.memref_slice %arg5[%dma_start3A_424, %dma_start3A_436, %dma_start3A_437] : memref<8x64x26xf32, #tpu.memory_space<vmem>> -> memref<1x64x26xf32, #tpu.memory_space<vmem>>
    %dma_start3A_439 = tpu.memref_squeeze %dma_start3A_438 : memref<1x64x26xf32, #tpu.memory_space<vmem>> -> memref<64x26xf32, #tpu.memory_space<vmem>>
    tpu.enqueue_dma source(%dma_start3A_439 : memref<64x26xf32, #tpu.memory_space<vmem>>) target(%dma_start3A_435 : memref<64x26xf32, #tpu.memory_space<hbm>>) target_semaphore(%dma_start3A_433 : memref<!tpu.dma_semaphore, #tpu.memory_space<semaphore_mem>>)
    %dma_wait3A_440 = arith.constant 0 : i32
    %dma_wait3A_441 = arith.constant 0 : i32
    %dma_wait3A_442 = arith.constant 0 : i32
    %dma_wait3A_443 = arith.constant 0 : i32
    %dma_wait3A_444 = tpu.memref_slice %arg5[%dma_wait3A_440, %dma_wait3A_442, %dma_wait3A_443] : memref<8x64x26xf32, #tpu.memory_space<vmem>> -> memref<1x64x26xf32, #tpu.memory_space<vmem>>
    %dma_wait3A_445 = tpu.memref_squeeze %dma_wait3A_444 : memref<1x64x26xf32, #tpu.memory_space<vmem>> -> memref<64x26xf32, #tpu.memory_space<vmem>>
    %dma_wait3A_446 = arith.constant 0 : i32
    %dma_wait3A_447 = tpu.memref_slice %arg3[%add3A_164, %dma_wait3A_446] : memref<16384x26xf32, #tpu.memory_space<hbm>> -> memref<64x26xf32, #tpu.memory_space<hbm>>
    %dma_wait3A_448 = tpu.memref_slice %arg7[%dma_wait3A_441] : memref<8x!tpu.dma_semaphore, #tpu.memory_space<semaphore_mem>> -> memref<1x!tpu.dma_semaphore, #tpu.memory_space<semaphore_mem>>
    %dma_wait3A_449 = tpu.memref_squeeze %dma_wait3A_448 : memref<1x!tpu.dma_semaphore, #tpu.memory_space<semaphore_mem>> -> memref<!tpu.dma_semaphore, #tpu.memory_space<semaphore_mem>>
    %dma_wait3A_450 = arith.constant 0 : i32
    %dma_wait3A_451 = tpu.memref_slice %arg3[%add3A_164, %dma_wait3A_450] : memref<16384x26xf32, #tpu.memory_space<hbm>> -> memref<64x26xf32, #tpu.memory_space<hbm>>
    %dma_wait3A_452 = arith.constant 0 : i32
    %dma_wait3A_453 = arith.constant 0 : i32
    %dma_wait3A_454 = tpu.memref_slice %arg5[%dma_wait3A_440, %dma_wait3A_452, %dma_wait3A_453] : memref<8x64x26xf32, #tpu.memory_space<vmem>> -> memref<1x64x26xf32, #tpu.memory_space<vmem>>
    %dma_wait3A_455 = tpu.memref_squeeze %dma_wait3A_454 : memref<1x64x26xf32, #tpu.memory_space<vmem>> -> memref<64x26xf32, #tpu.memory_space<vmem>>
    tpu.wait_dma2 semaphore(%dma_wait3A_449 : memref<!tpu.dma_semaphore, #tpu.memory_space<semaphore_mem>>) src(%dma_wait3A_455 : memref<64x26xf32, #tpu.memory_space<vmem>>) dst(%dma_wait3A_451 : memref<64x26xf32, #tpu.memory_space<hbm>>)
    %dma_wait3A_456 = arith.constant 1 : i32
    %dma_wait3A_457 = arith.constant 1 : i32
    %dma_wait3A_458 = arith.constant 0 : i32
    %dma_wait3A_459 = arith.constant 0 : i32
    %dma_wait3A_460 = tpu.memref_slice %arg5[%dma_wait3A_456, %dma_wait3A_458, %dma_wait3A_459] : memref<8x64x26xf32, #tpu.memory_space<vmem>> -> memref<1x64x26xf32, #tpu.memory_space<vmem>>
    %dma_wait3A_461 = tpu.memref_squeeze %dma_wait3A_460 : memref<1x64x26xf32, #tpu.memory_space<vmem>> -> memref<64x26xf32, #tpu.memory_space<vmem>>
    %dma_wait3A_462 = arith.constant 0 : i32
    %dma_wait3A_463 = tpu.memref_slice %arg3[%add3A_201, %dma_wait3A_462] : memref<16384x26xf32, #tpu.memory_space<hbm>> -> memref<64x26xf32, #tpu.memory_space<hbm>>
    %dma_wait3A_464 = tpu.memref_slice %arg7[%dma_wait3A_457] : memref<8x!tpu.dma_semaphore, #tpu.memory_space<semaphore_mem>> -> memref<1x!tpu.dma_semaphore, #tpu.memory_space<semaphore_mem>>
    %dma_wait3A_465 = tpu.memref_squeeze %dma_wait3A_464 : memref<1x!tpu.dma_semaphore, #tpu.memory_space<semaphore_mem>> -> memref<!tpu.dma_semaphore, #tpu.memory_space<semaphore_mem>>
    %dma_wait3A_466 = arith.constant 0 : i32
    %dma_wait3A_467 = tpu.memref_slice %arg3[%add3A_201, %dma_wait3A_466] : memref<16384x26xf32, #tpu.memory_space<hbm>> -> memref<64x26xf32, #tpu.memory_space<hbm>>
    %dma_wait3A_468 = arith.constant 0 : i32
    %dma_wait3A_469 = arith.constant 0 : i32
    %dma_wait3A_470 = tpu.memref_slice %arg5[%dma_wait3A_456, %dma_wait3A_468, %dma_wait3A_469] : memref<8x64x26xf32, #tpu.memory_space<vmem>> -> memref<1x64x26xf32, #tpu.memory_space<vmem>>
    %dma_wait3A_471 = tpu.memref_squeeze %dma_wait3A_470 : memref<1x64x26xf32, #tpu.memory_space<vmem>> -> memref<64x26xf32, #tpu.memory_space<vmem>>
    tpu.wait_dma2 semaphore(%dma_wait3A_465 : memref<!tpu.dma_semaphore, #tpu.memory_space<semaphore_mem>>) src(%dma_wait3A_471 : memref<64x26xf32, #tpu.memory_space<vmem>>) dst(%dma_wait3A_467 : memref<64x26xf32, #tpu.memory_space<hbm>>)
    %dma_wait3A_472 = arith.constant 2 : i32
    %dma_wait3A_473 = arith.constant 2 : i32
    %dma_wait3A_474 = arith.constant 0 : i32
    %dma_wait3A_475 = arith.constant 0 : i32
    %dma_wait3A_476 = tpu.memref_slice %arg5[%dma_wait3A_472, %dma_wait3A_474, %dma_wait3A_475] : memref<8x64x26xf32, #tpu.memory_space<vmem>> -> memref<1x64x26xf32, #tpu.memory_space<vmem>>
    %dma_wait3A_477 = tpu.memref_squeeze %dma_wait3A_476 : memref<1x64x26xf32, #tpu.memory_space<vmem>> -> memref<64x26xf32, #tpu.memory_space<vmem>>
    %dma_wait3A_478 = arith.constant 0 : i32
    %dma_wait3A_479 = tpu.memref_slice %arg3[%add3A_238, %dma_wait3A_478] : memref<16384x26xf32, #tpu.memory_space<hbm>> -> memref<64x26xf32, #tpu.memory_space<hbm>>
    %dma_wait3A_480 = tpu.memref_slice %arg7[%dma_wait3A_473] : memref<8x!tpu.dma_semaphore, #tpu.memory_space<semaphore_mem>> -> memref<1x!tpu.dma_semaphore, #tpu.memory_space<semaphore_mem>>
    %dma_wait3A_481 = tpu.memref_squeeze %dma_wait3A_480 : memref<1x!tpu.dma_semaphore, #tpu.memory_space<semaphore_mem>> -> memref<!tpu.dma_semaphore, #tpu.memory_space<semaphore_mem>>
    %dma_wait3A_482 = arith.constant 0 : i32
    %dma_wait3A_483 = tpu.memref_slice %arg3[%add3A_238, %dma_wait3A_482] : memref<16384x26xf32, #tpu.memory_space<hbm>> -> memref<64x26xf32, #tpu.memory_space<hbm>>
    %dma_wait3A_484 = arith.constant 0 : i32
    %dma_wait3A_485 = arith.constant 0 : i32
    %dma_wait3A_486 = tpu.memref_slice %arg5[%dma_wait3A_472, %dma_wait3A_484, %dma_wait3A_485] : memref<8x64x26xf32, #tpu.memory_space<vmem>> -> memref<1x64x26xf32, #tpu.memory_space<vmem>>
    %dma_wait3A_487 = tpu.memref_squeeze %dma_wait3A_486 : memref<1x64x26xf32, #tpu.memory_space<vmem>> -> memref<64x26xf32, #tpu.memory_space<vmem>>
    tpu.wait_dma2 semaphore(%dma_wait3A_481 : memref<!tpu.dma_semaphore, #tpu.memory_space<semaphore_mem>>) src(%dma_wait3A_487 : memref<64x26xf32, #tpu.memory_space<vmem>>) dst(%dma_wait3A_483 : memref<64x26xf32, #tpu.memory_space<hbm>>)
    %dma_wait3A_488 = arith.constant 3 : i32
    %dma_wait3A_489 = arith.constant 3 : i32
    %dma_wait3A_490 = arith.constant 0 : i32
    %dma_wait3A_491 = arith.constant 0 : i32
    %dma_wait3A_492 = tpu.memref_slice %arg5[%dma_wait3A_488, %dma_wait3A_490, %dma_wait3A_491] : memref<8x64x26xf32, #tpu.memory_space<vmem>> -> memref<1x64x26xf32, #tpu.memory_space<vmem>>
    %dma_wait3A_493 = tpu.memref_squeeze %dma_wait3A_492 : memref<1x64x26xf32, #tpu.memory_space<vmem>> -> memref<64x26xf32, #tpu.memory_space<vmem>>
    %dma_wait3A_494 = arith.constant 0 : i32
    %dma_wait3A_495 = tpu.memref_slice %arg3[%add3A_275, %dma_wait3A_494] : memref<16384x26xf32, #tpu.memory_space<hbm>> -> memref<64x26xf32, #tpu.memory_space<hbm>>
    %dma_wait3A_496 = tpu.memref_slice %arg7[%dma_wait3A_489] : memref<8x!tpu.dma_semaphore, #tpu.memory_space<semaphore_mem>> -> memref<1x!tpu.dma_semaphore, #tpu.memory_space<semaphore_mem>>
    %dma_wait3A_497 = tpu.memref_squeeze %dma_wait3A_496 : memref<1x!tpu.dma_semaphore, #tpu.memory_space<semaphore_mem>> -> memref<!tpu.dma_semaphore, #tpu.memory_space<semaphore_mem>>
    %dma_wait3A_498 = arith.constant 0 : i32
    %dma_wait3A_499 = tpu.memref_slice %arg3[%add3A_275, %dma_wait3A_498] : memref<16384x26xf32, #tpu.memory_space<hbm>> -> memref<64x26xf32, #tpu.memory_space<hbm>>
    %dma_wait3A_500 = arith.constant 0 : i32
    %dma_wait3A_501 = arith.constant 0 : i32
    %dma_wait3A_502 = tpu.memref_slice %arg5[%dma_wait3A_488, %dma_wait3A_500, %dma_wait3A_501] : memref<8x64x26xf32, #tpu.memory_space<vmem>> -> memref<1x64x26xf32, #tpu.memory_space<vmem>>
    %dma_wait3A_503 = tpu.memref_squeeze %dma_wait3A_502 : memref<1x64x26xf32, #tpu.memory_space<vmem>> -> memref<64x26xf32, #tpu.memory_space<vmem>>
    tpu.wait_dma2 semaphore(%dma_wait3A_497 : memref<!tpu.dma_semaphore, #tpu.memory_space<semaphore_mem>>) src(%dma_wait3A_503 : memref<64x26xf32, #tpu.memory_space<vmem>>) dst(%dma_wait3A_499 : memref<64x26xf32, #tpu.memory_space<hbm>>)
    %dma_wait3A_504 = arith.constant 4 : i32
    %dma_wait3A_505 = arith.constant 4 : i32
    %dma_wait3A_506 = arith.constant 0 : i32
    %dma_wait3A_507 = arith.constant 0 : i32
    %dma_wait3A_508 = tpu.memref_slice %arg5[%dma_wait3A_504, %dma_wait3A_506, %dma_wait3A_507] : memref<8x64x26xf32, #tpu.memory_space<vmem>> -> memref<1x64x26xf32, #tpu.memory_space<vmem>>
    %dma_wait3A_509 = tpu.memref_squeeze %dma_wait3A_508 : memref<1x64x26xf32, #tpu.memory_space<vmem>> -> memref<64x26xf32, #tpu.memory_space<vmem>>
    %dma_wait3A_510 = arith.constant 0 : i32
    %dma_wait3A_511 = tpu.memref_slice %arg3[%add3A_312, %dma_wait3A_510] : memref<16384x26xf32, #tpu.memory_space<hbm>> -> memref<64x26xf32, #tpu.memory_space<hbm>>
    %dma_wait3A_512 = tpu.memref_slice %arg7[%dma_wait3A_505] : memref<8x!tpu.dma_semaphore, #tpu.memory_space<semaphore_mem>> -> memref<1x!tpu.dma_semaphore, #tpu.memory_space<semaphore_mem>>
    %dma_wait3A_513 = tpu.memref_squeeze %dma_wait3A_512 : memref<1x!tpu.dma_semaphore, #tpu.memory_space<semaphore_mem>> -> memref<!tpu.dma_semaphore, #tpu.memory_space<semaphore_mem>>
    %dma_wait3A_514 = arith.constant 0 : i32
    %dma_wait3A_515 = tpu.memref_slice %arg3[%add3A_312, %dma_wait3A_514] : memref<16384x26xf32, #tpu.memory_space<hbm>> -> memref<64x26xf32, #tpu.memory_space<hbm>>
    %dma_wait3A_516 = arith.constant 0 : i32
    %dma_wait3A_517 = arith.constant 0 : i32
    %dma_wait3A_518 = tpu.memref_slice %arg5[%dma_wait3A_504, %dma_wait3A_516, %dma_wait3A_517] : memref<8x64x26xf32, #tpu.memory_space<vmem>> -> memref<1x64x26xf32, #tpu.memory_space<vmem>>
    %dma_wait3A_519 = tpu.memref_squeeze %dma_wait3A_518 : memref<1x64x26xf32, #tpu.memory_space<vmem>> -> memref<64x26xf32, #tpu.memory_space<vmem>>
    tpu.wait_dma2 semaphore(%dma_wait3A_513 : memref<!tpu.dma_semaphore, #tpu.memory_space<semaphore_mem>>) src(%dma_wait3A_519 : memref<64x26xf32, #tpu.memory_space<vmem>>) dst(%dma_wait3A_515 : memref<64x26xf32, #tpu.memory_space<hbm>>)
    %dma_wait3A_520 = arith.constant 5 : i32
    %dma_wait3A_521 = arith.constant 5 : i32
    %dma_wait3A_522 = arith.constant 0 : i32
    %dma_wait3A_523 = arith.constant 0 : i32
    %dma_wait3A_524 = tpu.memref_slice %arg5[%dma_wait3A_520, %dma_wait3A_522, %dma_wait3A_523] : memref<8x64x26xf32, #tpu.memory_space<vmem>> -> memref<1x64x26xf32, #tpu.memory_space<vmem>>
    %dma_wait3A_525 = tpu.memref_squeeze %dma_wait3A_524 : memref<1x64x26xf32, #tpu.memory_space<vmem>> -> memref<64x26xf32, #tpu.memory_space<vmem>>
    %dma_wait3A_526 = arith.constant 0 : i32
    %dma_wait3A_527 = tpu.memref_slice %arg3[%add3A_349, %dma_wait3A_526] : memref<16384x26xf32, #tpu.memory_space<hbm>> -> memref<64x26xf32, #tpu.memory_space<hbm>>
    %dma_wait3A_528 = tpu.memref_slice %arg7[%dma_wait3A_521] : memref<8x!tpu.dma_semaphore, #tpu.memory_space<semaphore_mem>> -> memref<1x!tpu.dma_semaphore, #tpu.memory_space<semaphore_mem>>
    %dma_wait3A_529 = tpu.memref_squeeze %dma_wait3A_528 : memref<1x!tpu.dma_semaphore, #tpu.memory_space<semaphore_mem>> -> memref<!tpu.dma_semaphore, #tpu.memory_space<semaphore_mem>>
    %dma_wait3A_530 = arith.constant 0 : i32
    %dma_wait3A_531 = tpu.memref_slice %arg3[%add3A_349, %dma_wait3A_530] : memref<16384x26xf32, #tpu.memory_space<hbm>> -> memref<64x26xf32, #tpu.memory_space<hbm>>
    %dma_wait3A_532 = arith.constant 0 : i32
    %dma_wait3A_533 = arith.constant 0 : i32
    %dma_wait3A_534 = tpu.memref_slice %arg5[%dma_wait3A_520, %dma_wait3A_532, %dma_wait3A_533] : memref<8x64x26xf32, #tpu.memory_space<vmem>> -> memref<1x64x26xf32, #tpu.memory_space<vmem>>
    %dma_wait3A_535 = tpu.memref_squeeze %dma_wait3A_534 : memref<1x64x26xf32, #tpu.memory_space<vmem>> -> memref<64x26xf32, #tpu.memory_space<vmem>>
    tpu.wait_dma2 semaphore(%dma_wait3A_529 : memref<!tpu.dma_semaphore, #tpu.memory_space<semaphore_mem>>) src(%dma_wait3A_535 : memref<64x26xf32, #tpu.memory_space<vmem>>) dst(%dma_wait3A_531 : memref<64x26xf32, #tpu.memory_space<hbm>>)
    %dma_wait3A_536 = arith.constant 6 : i32
    %dma_wait3A_537 = arith.constant 6 : i32
    %dma_wait3A_538 = arith.constant 0 : i32
    %dma_wait3A_539 = arith.constant 0 : i32
    %dma_wait3A_540 = tpu.memref_slice %arg5[%dma_wait3A_536, %dma_wait3A_538, %dma_wait3A_539] : memref<8x64x26xf32, #tpu.memory_space<vmem>> -> memref<1x64x26xf32, #tpu.memory_space<vmem>>
    %dma_wait3A_541 = tpu.memref_squeeze %dma_wait3A_540 : memref<1x64x26xf32, #tpu.memory_space<vmem>> -> memref<64x26xf32, #tpu.memory_space<vmem>>
    %dma_wait3A_542 = arith.constant 0 : i32
    %dma_wait3A_543 = tpu.memref_slice %arg3[%add3A_386, %dma_wait3A_542] : memref<16384x26xf32, #tpu.memory_space<hbm>> -> memref<64x26xf32, #tpu.memory_space<hbm>>
    %dma_wait3A_544 = tpu.memref_slice %arg7[%dma_wait3A_537] : memref<8x!tpu.dma_semaphore, #tpu.memory_space<semaphore_mem>> -> memref<1x!tpu.dma_semaphore, #tpu.memory_space<semaphore_mem>>
    %dma_wait3A_545 = tpu.memref_squeeze %dma_wait3A_544 : memref<1x!tpu.dma_semaphore, #tpu.memory_space<semaphore_mem>> -> memref<!tpu.dma_semaphore, #tpu.memory_space<semaphore_mem>>
    %dma_wait3A_546 = arith.constant 0 : i32
    %dma_wait3A_547 = tpu.memref_slice %arg3[%add3A_386, %dma_wait3A_546] : memref<16384x26xf32, #tpu.memory_space<hbm>> -> memref<64x26xf32, #tpu.memory_space<hbm>>
    %dma_wait3A_548 = arith.constant 0 : i32
    %dma_wait3A_549 = arith.constant 0 : i32
    %dma_wait3A_550 = tpu.memref_slice %arg5[%dma_wait3A_536, %dma_wait3A_548, %dma_wait3A_549] : memref<8x64x26xf32, #tpu.memory_space<vmem>> -> memref<1x64x26xf32, #tpu.memory_space<vmem>>
    %dma_wait3A_551 = tpu.memref_squeeze %dma_wait3A_550 : memref<1x64x26xf32, #tpu.memory_space<vmem>> -> memref<64x26xf32, #tpu.memory_space<vmem>>
    tpu.wait_dma2 semaphore(%dma_wait3A_545 : memref<!tpu.dma_semaphore, #tpu.memory_space<semaphore_mem>>) src(%dma_wait3A_551 : memref<64x26xf32, #tpu.memory_space<vmem>>) dst(%dma_wait3A_547 : memref<64x26xf32, #tpu.memory_space<hbm>>)
    %dma_wait3A_552 = arith.constant 7 : i32
    %dma_wait3A_553 = arith.constant 7 : i32
    %dma_wait3A_554 = arith.constant 0 : i32
    %dma_wait3A_555 = arith.constant 0 : i32
    %dma_wait3A_556 = tpu.memref_slice %arg5[%dma_wait3A_552, %dma_wait3A_554, %dma_wait3A_555] : memref<8x64x26xf32, #tpu.memory_space<vmem>> -> memref<1x64x26xf32, #tpu.memory_space<vmem>>
    %dma_wait3A_557 = tpu.memref_squeeze %dma_wait3A_556 : memref<1x64x26xf32, #tpu.memory_space<vmem>> -> memref<64x26xf32, #tpu.memory_space<vmem>>
    %dma_wait3A_558 = arith.constant 0 : i32
    %dma_wait3A_559 = tpu.memref_slice %arg3[%add3A_423, %dma_wait3A_558] : memref<16384x26xf32, #tpu.memory_space<hbm>> -> memref<64x26xf32, #tpu.memory_space<hbm>>
    %dma_wait3A_560 = tpu.memref_slice %arg7[%dma_wait3A_553] : memref<8x!tpu.dma_semaphore, #tpu.memory_space<semaphore_mem>> -> memref<1x!tpu.dma_semaphore, #tpu.memory_space<semaphore_mem>>
    %dma_wait3A_561 = tpu.memref_squeeze %dma_wait3A_560 : memref<1x!tpu.dma_semaphore, #tpu.memory_space<semaphore_mem>> -> memref<!tpu.dma_semaphore, #tpu.memory_space<semaphore_mem>>
    %dma_wait3A_562 = arith.constant 0 : i32
    %dma_wait3A_563 = tpu.memref_slice %arg3[%add3A_423, %dma_wait3A_562] : memref<16384x26xf32, #tpu.memory_space<hbm>> -> memref<64x26xf32, #tpu.memory_space<hbm>>
    %dma_wait3A_564 = arith.constant 0 : i32
    %dma_wait3A_565 = arith.constant 0 : i32
    %dma_wait3A_566 = tpu.memref_slice %arg5[%dma_wait3A_552, %dma_wait3A_564, %dma_wait3A_565] : memref<8x64x26xf32, #tpu.memory_space<vmem>> -> memref<1x64x26xf32, #tpu.memory_space<vmem>>
    %dma_wait3A_567 = tpu.memref_squeeze %dma_wait3A_566 : memref<1x64x26xf32, #tpu.memory_space<vmem>> -> memref<64x26xf32, #tpu.memory_space<vmem>>
    tpu.wait_dma2 semaphore(%dma_wait3A_561 : memref<!tpu.dma_semaphore, #tpu.memory_space<semaphore_mem>>) src(%dma_wait3A_567 : memref<64x26xf32, #tpu.memory_space<vmem>>) dst(%dma_wait3A_563 : memref<64x26xf32, #tpu.memory_space<hbm>>)
    return
  }
}

</mosaic_0001>

<sc_bundles>
// kernel: kernel.3.cloned.1.call-start
scs
__scs_entry_jumppad:
0x0: {  	(pc) =	sbr.rel $0x88, $3  }
0x1: {  	(tag) =	ssettag $0x0;
	lr =	simm.s32 $0x1  }
0x2: {  	[smem:$0x3FA0] =	sst lr;
	_ =	strace $0xD0000000  }
0x3: {  	_ = 	snop  }
0x4: {  	_ = 	snop  }
0x5: {  	_ = 	snop  }
0x6: {  	_ = 	snop  }
0x7: {  	_ = 	snop  }
__scs_overlays_trampoline_lowered:
0x8: {  	[smem:$0x3FAF] =	sst s0  }
0x9: {  	[smem:$0x3FB0] =	sst s1  }
0xa: {  	[smem:$0x3FB1] =	sst s2  }
0xb: {  	[smem:$0x3FB2] =	sst s3  }
0xc: {  	[smem:$0x3FB3] =	sst s4  }
0xd: {  	[smem:$0x3FB4] =	sst s5  }
0xe: {  	[smem:$0x3FB5] =	sst s6  }
0xf: {  	[smem:$0x3FB6] =	sst s7  }
0x10: {  	[smem:$0x3FB7] =	sst s8  }
0x11: {  	[smem:$0x3FB8] =	sst s9;
	s0 =	simm.s32 @!p0 $0x0  }
0x12: {  	s1 =	sld [smem:$0x3F9E];
	s0 =	simm.s32 @p0 $0x1  }
0x13: {  	[smem:$0x3FB9] =	sst s0;
	s0 =	simm.s32 @!p1 $0x0  }
0x14: {  	s2 =	sld [smem:$0x3F9D];
	s0 =	simm.s32 @p1 $0x1  }
0x15: {  	[smem:$0x3FBA] =	sst s0;
	s0 =	simm.s32 @!p2 $0x0  }
0x16: {  	s3 =	sld [smem:$0x3FDB];
	s0 =	simm.s32 @p2 $0x1  }
0x17: {  	s4 =	simm.s32 $0x1BF5;
	[smem:$0x3FBC] =	sst s0  }
0x18: {  	s0 =	sld [smem:$0x3F9F];
	_ =	swait.ge [sflag:s4], $0x0  }
0x19: {  	s7 =	sld [smem:$0x3FA0]  }
0x1a: {  	s8 =	sadd.s32 $0xFFFFE003, lr  }
0x1b: {  	s9 =	sadd.s32 $0xFFFFFEF7, lr;
	s5 =	simm.s32 $0xFFFFFFFF;
	p2 =	slt.u32 s8, $0xFFFFF086  }
0x1c: {  	p1 =	slt.u32 s9, $0xF7A;
	s5 =	simm.s32 @!p2 $0x0  }
0x1d: {  	s5 =	simm.s32 @p1 $0x1;
	p0 =	seq.s32 s7, s2  }
0x1e: {  	s7 =	smul.u32 @!p0 $0xF7A, s2;
	p2 =	seq.s32 @!p0 s5, $0x0  }
0x1f: {  	s9 =	smul.u32 $0xF7A, s1;
	s8 =	simm.s32 @!p0 $0x1BF5;
	p2 =	por !p2, p0  }
0x20: {  	[sflag:s8] =	ssyncset.s32 @!p0 $0xFFFFF086;
	s6 =	sadd.s32 @!p0 s3, s7;
	s7 =	simm.s32 @!p0 $0x108  }
0x21: {  	s3 =	sadd.s32 s3, s9;
	s6 =	sadd.s32 @!p0 $0x88, s6;
	s7 =	simm.s32 @p2 $0x1082  }
0x22: {  	[simem:s7], [sflag:s8] =	dma.local @!p0 [hbm:s6], $0xF7A  }
0x23: {  	s9 =	sor.u32 $0xD0000000, s2;
	s6 =	simm.s32 $0x108;
	_ =	swait.ge @!p0 [sflag:s8], $0x0  }
0x24: {  	s3 =	sadd.s32 $0x88, s3;
	s6 =	simm.s32 @!p1 $0x1082;
	[sflag:s4] =	ssyncset.s32 $0xFFFFF086  }
0x25: {  	[simem:s6], [sflag:s4] =	dma.local [hbm:s3], $0xF7A  }
0x26: {  	[smem:$0x3FA0] =	sst s1;
	(tag) =	ssettag s2;
	_ =	strace s9  }
0x27: {  	s1 =	sld [smem:$0x3FB0]  }
0x28: {  	s2 =	sld [smem:$0x3FB1]  }
0x29: {  	s4 =	sld [smem:$0x3FB3]  }
0x2a: {  	p0 =	seq.s32 s5, $0x0;
	s5 =	sld [smem:$0x3FB4]  }
0x2b: {  	s6 =	sld [smem:$0x3FB5]  }
0x2c: {  	s7 =	sld [smem:$0x3FB6]  }
0x2d: {  	s3 =	simm.s32 $0x108;
	s8 =	sld [smem:$0x3FB7]  }
0x2e: {  	s3 =	simm.s32 @!p0 $0x1082;
	s9 =	sld [smem:$0x3FB8]  }
0x2f: {  	lr =	sadd.s32 s0, s3;
	s0 =	sld [smem:$0x3FAF]  }
0x30: {  	s3 =	sld [smem:$0x3FB2]  }
0x31: {  	[smem:$0x3FBB] =	sst s10  }
0x32: {  	s10 =	sld [smem:$0x3FB9];
	_ =	sdelay $0x3  }
0x33: {  	p0 =	seq.s32 s10, $0x1;
	s10 =	sld [smem:$0x3FBB];
	_ =	sdelay $0x3  }
0x34: {  	[smem:$0x3FBB] =	sst s10  }
0x35: {  	s10 =	sld [smem:$0x3FBA];
	_ =	sdelay $0x3  }
0x36: {  	p1 =	seq.s32 s10, $0x1;
	s10 =	sld [smem:$0x3FBB];
	_ =	sdelay $0x3  }
0x37: {  	[smem:$0x3FBB] =	sst s10  }
0x38: {  	s10 =	sld [smem:$0x3FBC]  }
0x39: {  	_ = 	snop;
	(pc) =	sbr.ind lr, $3  }
0x3a: {  	_ = 	snop  }
0x3b: {  	_ = 	snop  }
0x3c: {  	p2 =	seq.s32 s10, $0x1;
	s10 =	sld [smem:$0x3FBB]  }
0x3d: {  	_ =	shalt  }
0x3e: {  	_ =	shalt  }
0x3f: {  	_ =	shalt  }
0x40: {  	_ =	shalt  }
0x41: {  	_ =	shalt  }
0x42: {  	_ =	shalt  }
0x43: {  	_ =	shalt  }
0x44: {  	_ =	shalt  }
0x45: {  	_ =	shalt  }
0x46: {  	_ =	shalt  }
0x47: {  	_ =	shalt  }
0x48: {  	_ =	shalt  }
0x49: {  	_ =	shalt  }
0x4a: {  	_ =	shalt  }
0x4b: {  	_ =	shalt  }
0x4c: {  	_ =	shalt  }
0x4d: {  	_ =	shalt  }
0x4e: {  	_ =	shalt  }
0x4f: {  	_ =	shalt  }
0x50: {  	_ =	shalt  }
0x51: {  	_ =	shalt  }
0x52: {  	_ =	shalt  }
0x53: {  	_ =	shalt  }
0x54: {  	_ =	shalt  }
0x55: {  	_ =	shalt  }
0x56: {  	_ =	shalt  }
0x57: {  	_ =	shalt  }
0x58: {  	_ =	shalt  }
0x59: {  	_ =	shalt  }
0x5a: {  	_ =	shalt  }
0x5b: {  	_ =	shalt  }
0x5c: {  	_ =	shalt  }
0x5d: {  	_ =	shalt  }
0x5e: {  	_ =	shalt  }
0x5f: {  	_ =	shalt  }
0x60: {  	_ =	shalt  }
0x61: {  	_ =	shalt  }
0x62: {  	_ =	shalt  }
0x63: {  	_ =	shalt  }
0x64: {  	_ =	shalt  }
0x65: {  	_ =	shalt  }
0x66: {  	_ =	shalt  }
0x67: {  	_ =	shalt  }
0x68: {  	_ =	shalt  }
0x69: {  	_ =	shalt  }
0x6a: {  	_ =	shalt  }
0x6b: {  	_ =	shalt  }
0x6c: {  	_ =	shalt  }
0x6d: {  	_ =	shalt  }
0x6e: {  	_ =	shalt  }
0x6f: {  	_ =	shalt  }
0x70: {  	_ =	shalt  }
0x71: {  	_ =	shalt  }
0x72: {  	_ =	shalt  }
0x73: {  	_ =	shalt  }
0x74: {  	_ =	shalt  }
0x75: {  	_ =	shalt  }
0x76: {  	_ =	shalt  }
0x77: {  	_ =	shalt  }
0x78: {  	_ =	shalt  }
0x79: {  	_ =	shalt  }
0x7a: {  	_ =	shalt  }
0x7b: {  	_ =	shalt  }
0x7c: {  	_ =	shalt  }
0x7d: {  	_ =	shalt  }
0x7e: {  	_ =	shalt  }
0x7f: {  	_ =	shalt  }
0x80: {  	_ =	shalt  }
0x81: {  	_ =	shalt  }
0x82: {  	_ =	shalt  }
0x83: {  	_ =	shalt  }
0x84: {  	_ =	shalt  }
0x85: {  	_ =	shalt  }
0x86: {  	_ =	shalt  }
0x87: {  	_ =	shalt  }
.Lfunc_end0:
.L_simem_size_0:
called_computation_lowered:
.L_overlay_start_0:
0x88: {  	s2 =	sld [smem:$0x3FD9]  }
0x89: {  	s3 =	sld [smem:$0x3FFE];
	_ =	sdelay $0x1  }
0x8a: {  	s1 =	srdreg.scid  }
0x8b: {  	s0 =	sand.u32 $0x1, s1  }
0x8c: {  	s17 =	sshll.u32 s0, $0xA;
	s2 =	sadd.s32 s3, s2  }
0x8d: {  	s2 =	sadd.s32 s2, s17  }
0x8e: {  	[smem:$0x3FC7] =	sst s2  }
0x8f: {  	_ = 	snop  }
0x90: {  	s2 =	sld [smem:$0x3FC9];
	(tm) =	ssettm $0x1  }
0x91: {  	s18 =	sld [smem:$0x3FFB];
	_ =	sdelay $0x3  }
0x92: {  	_ =	strace s18  }
0x93: {  	s3 =	sld [smem:$0x3FFC];
	_ =	sdelay $0x3  }
0x94: {  	_ =	strace s3  }
0x95: {  	s3 =	sld [smem:$0x3FFD];
	_ =	sdelay $0x3  }
0x96: {  	_ =	strace s3  }
0x97: {  	_ =	strace $0x8FFFFFFF  }
0x98: {  	s19 =	sld [smem:$0x3FDB];
	_ =	sdelay $0x1  }
0x99: {  	s4 =	simm.s32 $_scs_section_size  }
0x9a: {  	s5 =	simm.s32 $_size__tile_overlayer_lowered;
	s6 =	simm.s32 $_tile_overlayer_lowered  }
0x9b: {  	s22 =	simm.s32 $0x1BFF;
	s21 =	sshll.u32 s6, $0x1;
	s3 =	sadd.s32 s4, s19  }
0x9c: {  	s7 =	simm.s32 $0x0;
	s20 =	sshll.u32 s5, $0x1;
	s5 =	sadd.s32 s21, s3  }
0x9d: {  	[timem:s7], [sflag:s22] =	dma.local [hbm:s5], s20  }
0x9e: {  	_ =	swait.ge [sflag:s22], s20  }
0x9f: {  	s4 =	ssub.s32 $0x0, s20;
	[sflag:s22] =	ssyncset.done $0x0  }
0xa0: {  	[sflag:s22] =	ssyncadd.s32 s4;
	_ =	sdelay $0x1  }
0xa1: {  	s23 =	simm.s32 $0x1B8B  }
0xa2: {  	_ =	swait.ge [sflag:s23], $0x1  }
0xa3: {  	[sflag:s23] =	ssyncset.done $0x0  }
0xa4: {  	s25 =	simm.s32 $0x1B8E;
	s24 =	sld [smem:$0x3FFE];
	[sflag:s23] =	ssyncadd.s32 $0xFFFFFFFF  }
0xa5: {  	s26 =	simm.s32 $execute0_lowered;
	[smem:$0x3FD2] =	sst s25  }
0xa6: {  	s5 =	sshll.u32 s26, $0x1;
	_ =	strace $0x80000046;
	[dreg:$0x1] =	wrdreg $0xFFFFFFFF  }
0xa7: {  	s28 =	simm.s32 $_size_execute0_lowered;
	s3 =	sadd.s32 s3, s5;
	[dreg:$0x0] =	wrdreg $0x0  }
0xa8: {  	s5 =	sshll.u32 s28, $0x1;
	[dreg:$0x2] =	wrdreg s3  }
0xa9: {  	[dreg:$0x3] =	wrdreg s5  }
0xaa: {  	[dreg:$0x4] =	wrdreg $0xC0  }
0xab: {  	_ =	task [dreg:s7], $0x5FFFF  }
0xac: {  	[dreg:$0x1] =	wrdreg $0xFFFFFFFF  }
0xad: {  	[dreg:$0x0] =	wrdreg $0x60  }
0xae: {  	[dreg:$0x2] =	wrdreg s2  }
0xaf: {  	[dreg:$0x3] =	wrdreg s24  }
0xb0: {  	[dreg:$0x4] =	wrdreg $0x9  }
0xb1: {  	_ =	task.clear_ibuf [dreg:s7], $0x5FFFF;
	_ =	strace $0x90000046  }
0xb2: {  	s29 =	simm.s32 $0x9;
	_ =	strace $0x80000048  }
0xb3: {  	_ =	swait.ge [sflag:s29], $0x1  }
0xb4: {  	[sflag:s29] =	ssyncadd.s32 $0xFFFFFFFF  }
0xb5: {  	_ =	strace $0x90000048  }
0xb6: {  	_ =	sfence  }
0xb7: {  	s30 =	sld [smem:$0x0];
	_ =	sdelay $0x2  }
0xb8: {  	s31 =	sshll.u32 s1, $0xD;
	s1 =	sshrl.u32 s1, $0x2  }
0xb9: {  	s3 =	sand.u32 $0x4000, s31;
	s1 =	sadd.s32 s1, s30  }
0xba: {  	s0 =	sor.u32 s3, s0;
	s1 =	sshll.u32 s1, $0x11  }
0xbb: {  	s0 =	sor.u32 s1, s0  }
0xbc: {  	s0 =	sadd.s32 $0x8F2B, s0  }
0xbd: {  	[sflag:s0] =	ssyncadd.remote.s32 $0x1  }
0xbe: {  	_ =	sfence.sel $0xFFFF  }
0xbf: {  	[dreg:$0x0] =	wrdreg $0xFFFFFFFF;
	(pc) =	sbr.abs _section_cstart, $3  }
0xc0: {  	[dreg:$0x1] =	wrdreg $0xFFFFFFFF  }
0xc1: {  	_ =	task.clear_ibuf [dreg:s7], $0x2FFFF;
	_ =	strace $0x9FFFFFFF  }
0xc2: {  	(tm) =	ssettm $0x7FFFFFFF  }
0xc3: {  	_ =	shalt  }
tec
execute0_lowered:
.L_overlay_start_1:
0x0: {  	(tag) =	ssettag $0x1  }
0x1: {  	s0 =	rddreg [dreg:$0x0]  }
0x2: {  	s1 =	rddreg [dreg:$0x1];
	s2 =	simm.s32 $0x0;
	s3 =	srdreg.scid  }
0x3: {  	s5 =	stileid.u32;
	s28 =	simm.s32 $0x1;
	s30 =	simm.s32 $0x2  }
0x4: {  	s31 =	simm.s32 $0x8;
	s29 =	simm.s32 $0xC;
	s3 =	sand.u32 $0x1, s3  }
0x5: {  	[smem:$0x7FF] =	sst s2;
	s5 =	sshll.u32 s5, $0xE;
	s4 =	ssub.s32 $0x2, s3  }
0x6: {  	s1 =	sadd.s32 $0x400, s1;
	s3 =	sshll.u32 s3, $0xD;
	s6 =	sshrl.u32 s4, $0x1  }
0x7: {  	_ =	strace $0x80000047;
	s3 =	sor.u32 s3, s5;
	s4 =	ssub.s32 s4, s6  }
0x8: {  	s5 =	sadd.s32 s0, s3;
	s20 =	sor.u32 $0x400, s3;
	s22 =	sor.u32 $0x800, s3  }
0x9: {  	s7 =	sor.u32 $0xC00, s3;
	s24 =	sor.u32 $0x1000, s3;
	s25 =	sor.u32 $0x1400, s3  }
0xa: {  	s10 =	sor.u32 $0x1800, s3;
	s18 =	sor.u32 $0x1C00, s3;
	s6 =	simm.s32 $0x0  }
0xb: {  	[dreg:$0x3] =	wrdreg s5;
	s21 =	sadd.s32 s0, s20;
	s8 =	sadd.s32 s0, s22  }
0xc: {  	s23 =	sadd.s32 s0, s7;
	s9 =	sadd.s32 s0, s24;
	s11 =	sadd.s32 s0, s25  }
0xd: {  	s26 =	sadd.s32 s0, s10;
	s0 =	sadd.s32 s0, s18;
	s12 =	sadd.s32 s1, s20  }
0xe: {  	s13 =	sadd.s32 s1, s22;
	s14 =	sadd.s32 s1, s7;
	[dreg:$0x4] =	wrdreg s21  }
0xf: {  	s15 =	sadd.s32 s1, s24;
	s16 =	sadd.s32 s1, s25;
	[dreg:$0x5] =	wrdreg s8  }
0x10: {  	s17 =	sadd.s32 s1, s10;
	s18 =	sadd.s32 s1, s18;
	[dreg:$0x6] =	wrdreg s23  }
0x11: {  	s19 =	smax.u32 s4, $0x1;
	s20 =	simm.s32 $0x4;
	[dreg:$0x7] =	wrdreg s9  }
0x12: {  	s22 =	simm.s32 $0x5;
	s24 =	simm.s32 $0x6;
	[dreg:$0x8] =	wrdreg s11  }
0x13: {  	s25 =	simm.s32 $0xB;
	s4 =	simm.s32 $0xF;
	[dreg:$0x9] =	wrdreg s26  }
0x14: {  	s5 =	simm.s32 $0x10;
	[dreg:$0xa] =	wrdreg s0;
	s11 =	sadd.s32 s1, s3  }
0x15: {  	s0 =	simm.s32 $0x3;
	s26 =	simm.s32 $0x7;
	s21 =	simm.s32 $0x9  }
0x16: {  	s23 =	simm.s32 $0xA;
	s1 =	simm.s32 $0xD;
	s3 =	simm.s32 $0xE  }
.LBB2_1:
0x17: {  	s7 =	rddreg [dreg:$0x3]  }
0x18: {  	[tilespmem:s2], [sflag:$0x1] =	stream.linear.gather [hbm4b:s7+s2], $0x2000, $0x38;
	v63 =	vld [tilespmem:$0x0]  }
0x19: {  	s10 =	rddreg [dreg:$0x4];
	s8 =	simm.s32 $0x2000  }
0x1a: {  	[tilespmem:s8], [sflag:$0x2] =	stream.linear.gather [hbm4b:s10+s2], $0x2000, $0x38;
	v63 =	vld [tilespmem:$0x0]  }
0x1b: {  	s9 =	rddreg [dreg:$0x5];
	s10 =	simm.s32 $0x4000  }
0x1c: {  	[tilespmem:s10], [sflag:$0x3] =	stream.linear.gather [hbm4b:s9+s2], $0x2000, $0x38;
	v63 =	vld [tilespmem:$0x0]  }
0x1d: {  	s9 =	rddreg [dreg:$0x6];
	s10 =	simm.s32 $0x6000  }
0x1e: {  	[tilespmem:s10], [sflag:$0x4] =	stream.linear.gather [hbm4b:s9+s2], $0x2000, $0x38;
	v63 =	vld [tilespmem:$0x0]  }
0x1f: {  	s9 =	rddreg [dreg:$0x7];
	s10 =	simm.s32 $0x8000  }
0x20: {  	[tilespmem:s10], [sflag:$0x5] =	stream.linear.gather [hbm4b:s9+s2], $0x2000, $0x38;
	v63 =	vld [tilespmem:$0x0]  }
0x21: {  	s9 =	rddreg [dreg:$0x8];
	s10 =	simm.s32 $0xA000  }
0x22: {  	[tilespmem:s10], [sflag:$0x6] =	stream.linear.gather [hbm4b:s9+s2], $0x2000, $0x38;
	v63 =	vld [tilespmem:$0x0]  }
0x23: {  	s9 =	rddreg [dreg:$0x9];
	s10 =	simm.s32 $0xC000  }
0x24: {  	[tilespmem:s10], [sflag:$0x7] =	stream.linear.gather [hbm4b:s9+s2], $0x2000, $0x38;
	v63 =	vld [tilespmem:$0x0]  }
0x25: {  	s8 =	rddreg [dreg:$0xa];
	s9 =	simm.s32 $0xE000  }
0x26: {  	[tilespmem:s9], [sflag:$0x8] =	stream.linear.gather [hbm4b:s8+s2], $0x2000, $0x38;
	v63 =	vld [tilespmem:$0x0]  }
0x27: {  	_ =	swait.ge [sflag:s28], $0x2000  }
0x28: {  	[sflag:s28] =	ssyncset.done $0x0  }
0x29: {  	s10 =	simm.s32 $0x264;
	[sflag:s28] =	ssyncadd.s32 $0xFFFFE000  }
0x2a: {  	v1 =	vld [tilespmem:s10+$0x180]  }
0x2b: {  	v2 =	vld [tilespmem:s10+$0x18A]  }
0x2c: {  	v0 =	vld [tilespmem:s10+$0xFFFFFE0A]  }
0x2d: {  	v3 =	vld [tilespmem:s10+$0xFFFFFE80]  }
0x2e: {  	v4 =	vld [tilespmem:s10+$0xFFFFFE8A]  }
0x2f: {  	s7 =	simm.s32 $0x10200;
	v5 =	vld [tilespmem:s10+$0xFFFFFF00]  }
0x30: {  	[tilespmem:s7+$0x180] =	vst v1;
	v1 =	vld [tilespmem:s10+$0xFFFFFF0A]  }
0x31: {  	[tilespmem:s7+$0x18A] =	vst v2;
	v2 =	vld [tilespmem:s10+$0xFFFFFF80]  }
0x32: {  	[tilespmem:s7+$0xFFFFFE80] =	vst v3;
	v3 =	vld [tilespmem:s10+$0xFFFFFF8A]  }
0x33: {  	[tilespmem:s7+$0xFFFFFE8A] =	vst v4;
	v4 =	vld [tilespmem:s10+$0x0]  }
0x34: {  	v6 =	vld [tilespmem:s10+$0xA];
	[tilespmem:s7+$0xFFFFFF00] =	vst v5  }
0x35: {  	[tilespmem:s7+$0xFFFFFF0A] =	vst v1;
	v1 =	vld [tilespmem:s10+$0x80]  }
0x36: {  	[tilespmem:s7+$0xFFFFFF80] =	vst v2;
	v2 =	vld [tilespmem:s10+$0x8A]  }
0x37: {  	[tilespmem:s7+$0xFFFFFF8A] =	vst v3;
	v3 =	vld [tilespmem:s10+$0x100]  }
0x38: {  	[tilespmem:s7+$0x0] =	vst v4;
	v4 =	vld [tilespmem:s10+$0x10A]  }
0x39: {  	s9 =	simm.s32 $0x0;
	s8 =	simm.s32 $0x10200;
	v5 =	vld [tilespmem:s10+$0xFFFFFE00];
	[tilespmem:s7+$0xA] =	vst v6;
	s10 =	simm.s32 $0x664  }
.LBB2_2:
0x3a: {  	v6 =	vld [tilespmem:s10+$0x180];
	[tilespmem:s7+$0x80] =	vst v1  }
0x3b: {  	s9 =	sadd.s32 $0x8, s9;
	v1 =	vld [tilespmem:s10+$0x18A];
	[tilespmem:s7+$0x8A] =	vst v2  }
0x3c: {  	p0 =	slt.u32 s9, $0x38;
	v2 =	vld [tilespmem:s10+$0xFFFFFE0A];
	[tilespmem:s7+$0x100] =	vst v3  }
0x3d: {  	v3 =	vld [tilespmem:s10+$0xFFFFFE80];
	[tilespmem:s7+$0x10A] =	vst v4  }
0x3e: {  	s7 =	sadd.s32 $0x400, s7;
	v4 =	vld [tilespmem:s10+$0xFFFFFE8A];
	[tilespmem:s8+$0xFFFFFE00] =	vst v5  }
0x3f: {  	v5 =	vld [tilespmem:s10+$0xFFFFFF00];
	[tilespmem:s7+$0x180] =	vst v6  }
0x40: {  	v6 =	vld [tilespmem:s10+$0xFFFFFF0A];
	[tilespmem:s7+$0x18A] =	vst v1  }
0x41: {  	v7 =	vld [tilespmem:s10+$0xFFFFFF80];
	[tilespmem:s8+$0xFFFFFE0A] =	vst v0;
	v0 =	vmov v2;
	s8 =	smov.u32 s7  }
0x42: {  	[tilespmem:s7+$0xFFFFFE80] =	vst v3;
	v3 =	vld [tilespmem:s10+$0xFFFFFF8A]  }
0x43: {  	[tilespmem:s7+$0xFFFFFE8A] =	vst v4;
	v4 =	vld [tilespmem:s10+$0x0]  }
0x44: {  	[tilespmem:s7+$0xFFFFFF00] =	vst v5;
	v8 =	vld [tilespmem:s10+$0xA]  }
.Ltmp0:
0x45: {  	[tilespmem:s7+$0xFFFFFF0A] =	vst v6;
	v1 =	vld [tilespmem:s10+$0x80];
	(pc) =	sbr.rel @p0 .LBB2_2-.Ltmp0, $4  }
0x46: {  	[tilespmem:s7+$0xFFFFFF80] =	vst v7;
	v2 =	vld [tilespmem:s10+$0x8A]  }
0x47: {  	[tilespmem:s7+$0xFFFFFF8A] =	vst v3;
	v3 =	vld [tilespmem:s10+$0x100]  }
0x48: {  	[tilespmem:s7+$0x0] =	vst v4;
	v4 =	vld [tilespmem:s10+$0x10A]  }
0x49: {  	v5 =	vld [tilespmem:s10+$0xFFFFFE00];
	[tilespmem:s7+$0xA] =	vst v8;
	s10 =	sadd.s32 $0x400, s10  }
0x4a: {  	[tilespmem:s7+$0x80] =	vst v1  }
0x4b: {  	[tilespmem:s7+$0x8A] =	vst v2  }
0x4c: {  	[tilespmem:s7+$0x100] =	vst v3  }
0x4d: {  	[tilespmem:s7+$0x10A] =	vst v4  }
0x4e: {  	[tilespmem:s8+$0xFFFFFE00] =	vst v5  }
0x4f: {  	s9 =	simm.s32 $0x10000;
	[tilespmem:s8+$0xFFFFFE0A] =	vst v0  }
0x50: {  	[hbm4b:s11+s2] =	stream.linear.scatter [tilespmem:s9], [sflag:$0x9], $0x2000, $0x38;
	v63 =	vld [tilespmem:$0x0]  }
0x51: {  	_ =	swait.ge [sflag:s30], $0x2000  }
0x52: {  	[sflag:s30] =	ssyncset.done $0x0  }
0x53: {  	s10 =	simm.s32 $0x23EE;
	[sflag:s30] =	ssyncadd.s32 $0xFFFFE000  }
0x54: {  	v1 =	vld [tilespmem:s10+$0x0]  }
0x55: {  	v0 =	vld [tilespmem:s10+$0xFFFFFC80]  }
0x56: {  	v2 =	vld [tilespmem:s10+$0xFFFFFCF6]  }
0x57: {  	v3 =	vld [tilespmem:s10+$0xFFFFFD00]  }
0x58: {  	v4 =	vld [tilespmem:s10+$0xFFFFFD76]  }
0x59: {  	s7 =	simm.s32 $0x1238A;
	v5 =	vld [tilespmem:s10+$0xFFFFFFF6]  }
0x5a: {  	[tilespmem:s7+$0x0] =	vst v1;
	v1 =	vld [tilespmem:s10+$0xFFFFFD80]  }
0x5b: {  	[tilespmem:s7+$0xFFFFFCF6] =	vst v2;
	v2 =	vld [tilespmem:s10+$0xFFFFFDF6]  }
0x5c: {  	[tilespmem:s7+$0xFFFFFD00] =	vst v3;
	v3 =	vld [tilespmem:s10+$0xFFFFFE00]  }
0x5d: {  	[tilespmem:s7+$0xFFFFFD76] =	vst v4;
	v4 =	vld [tilespmem:s10+$0xFFFFFE76]  }
0x5e: {  	v6 =	vld [tilespmem:s10+$0xFFFFFE80];
	[tilespmem:s7+$0xFFFFFFF6] =	vst v5  }
0x5f: {  	[tilespmem:s7+$0xFFFFFD80] =	vst v1;
	v1 =	vld [tilespmem:s10+$0xFFFFFEF6]  }
0x60: {  	[tilespmem:s7+$0xFFFFFDF6] =	vst v2;
	v2 =	vld [tilespmem:s10+$0xFFFFFF00]  }
0x61: {  	[tilespmem:s7+$0xFFFFFE00] =	vst v3;
	v3 =	vld [tilespmem:s10+$0xFFFFFF76]  }
0x62: {  	[tilespmem:s7+$0xFFFFFE76] =	vst v4;
	v4 =	vld [tilespmem:s10+$0xFFFFFF80]  }
0x63: {  	s8 =	simm.s32 $0x1238A;
	s9 =	simm.s32 $0x0;
	v5 =	vld [tilespmem:s10+$0xFFFFFC76];
	[tilespmem:s7+$0xFFFFFE80] =	vst v6;
	s10 =	simm.s32 $0x27EE  }
.LBB2_4:
0x64: {  	v6 =	vld [tilespmem:s10+$0x0];
	s9 =	sadd.s32 $0x8, s9;
	[tilespmem:s7+$0xFFFFFEF6] =	vst v1  }
0x65: {  	v1 =	vld [tilespmem:s10+$0xFFFFFC80];
	p0 =	slt.u32 s9, $0x38;
	[tilespmem:s7+$0xFFFFFF00] =	vst v2  }
0x66: {  	v2 =	vld [tilespmem:s10+$0xFFFFFCF6];
	[tilespmem:s7+$0xFFFFFF76] =	vst v3  }
0x67: {  	v3 =	vld [tilespmem:s10+$0xFFFFFD00];
	[tilespmem:s7+$0xFFFFFF80] =	vst v4  }
0x68: {  	s7 =	sadd.s32 $0x400, s7;
	v4 =	vld [tilespmem:s10+$0xFFFFFD76];
	[tilespmem:s8+$0xFFFFFC76] =	vst v5  }
0x69: {  	v5 =	vld [tilespmem:s10+$0xFFFFFFF6];
	[tilespmem:s7+$0x0] =	vst v6  }
0x6a: {  	v6 =	vld [tilespmem:s10+$0xFFFFFD80];
	[tilespmem:s8+$0xFFFFFC80] =	vst v0;
	v0 =	vmov v1;
	s8 =	smov.u32 s7  }
0x6b: {  	[tilespmem:s7+$0xFFFFFCF6] =	vst v2;
	v2 =	vld [tilespmem:s10+$0xFFFFFDF6]  }
0x6c: {  	[tilespmem:s7+$0xFFFFFD00] =	vst v3;
	v3 =	vld [tilespmem:s10+$0xFFFFFE00]  }
0x6d: {  	[tilespmem:s7+$0xFFFFFD76] =	vst v4;
	v4 =	vld [tilespmem:s10+$0xFFFFFE76]  }
0x6e: {  	v7 =	vld [tilespmem:s10+$0xFFFFFE80];
	[tilespmem:s7+$0xFFFFFFF6] =	vst v5  }
.Ltmp1:
0x6f: {  	[tilespmem:s7+$0xFFFFFD80] =	vst v6;
	v1 =	vld [tilespmem:s10+$0xFFFFFEF6];
	(pc) =	sbr.rel @p0 .LBB2_4-.Ltmp1, $4  }
0x70: {  	[tilespmem:s7+$0xFFFFFDF6] =	vst v2;
	v2 =	vld [tilespmem:s10+$0xFFFFFF00]  }
0x71: {  	[tilespmem:s7+$0xFFFFFE00] =	vst v3;
	v3 =	vld [tilespmem:s10+$0xFFFFFF76]  }
0x72: {  	[tilespmem:s7+$0xFFFFFE76] =	vst v4;
	v4 =	vld [tilespmem:s10+$0xFFFFFF80]  }
0x73: {  	v5 =	vld [tilespmem:s10+$0xFFFFFC76];
	[tilespmem:s7+$0xFFFFFE80] =	vst v7;
	s10 =	sadd.s32 $0x400, s10  }
0x74: {  	[tilespmem:s7+$0xFFFFFEF6] =	vst v1  }
0x75: {  	[tilespmem:s7+$0xFFFFFF00] =	vst v2  }
0x76: {  	[tilespmem:s7+$0xFFFFFF76] =	vst v3  }
0x77: {  	[tilespmem:s7+$0xFFFFFF80] =	vst v4  }
0x78: {  	[tilespmem:s8+$0xFFFFFC76] =	vst v5  }
0x79: {  	s9 =	simm.s32 $0x0;
	s10 =	simm.s32 $0x12000;
	[tilespmem:s8+$0xFFFFFC80] =	vst v0  }
0x7a: {  	[hbm4b:s12+s9] =	stream.linear.scatter [tilespmem:s10], [sflag:$0xA], $0x2000, $0x38;
	v63 =	vld [tilespmem:$0x0]  }
0x7b: {  	_ =	swait.ge [sflag:s0], $0x2000  }
0x7c: {  	[sflag:s0] =	ssyncset.done $0x0  }
0x7d: {  	s7 =	simm.s32 $0x0;
	[sflag:s0] =	ssyncadd.s32 $0xFFFFE000  }
0x7e: {  	v0 =	vld [tilespmem:s7+$0x43E4]  }
0x7f: {  	v2 =	vld [tilespmem:s7+$0x4064]  }
0x80: {  	v1 =	vld [tilespmem:s7+$0x43EE]  }
0x81: {  	v4 =	vld [tilespmem:s7+$0x40E4]  }
0x82: {  	v3 =	vld [tilespmem:s7+$0x406E]  }
0x83: {  	v5 =	vld [tilespmem:s7+$0x40EE];
	[tilespmem:s7+$0x14380] =	vst v0  }
0x84: {  	v0 =	vld [tilespmem:s7+$0x4164];
	[tilespmem:s7+$0x14000] =	vst v2  }
0x85: {  	[tilespmem:s7+$0x1438A] =	vst v1;
	v1 =	vld [tilespmem:s7+$0x416E]  }
0x86: {  	v2 =	vld [tilespmem:s7+$0x41E4];
	[tilespmem:s7+$0x14080] =	vst v4  }
0x87: {  	v4 =	vld [tilespmem:s7+$0x41EE];
	[tilespmem:s7+$0x1400A] =	vst v3  }
0x88: {  	[tilespmem:s7+$0x1408A] =	vst v5;
	v3 =	vld [tilespmem:s7+$0x4264]  }
0x89: {  	[tilespmem:s7+$0x14100] =	vst v0;
	v0 =	vld [tilespmem:s7+$0x426E]  }
0x8a: {  	[tilespmem:s7+$0x1410A] =	vst v1;
	v1 =	vld [tilespmem:s7+$0x42E4]  }
0x8b: {  	[tilespmem:s7+$0x14180] =	vst v2;
	v2 =	vld [tilespmem:s7+$0x42EE]  }
0x8c: {  	s8 =	simm.s32 $0x0;
	s9 =	simm.s32 $0x1000;
	[tilespmem:s7+$0x1418A] =	vst v4;
	v4 =	vld [tilespmem:s7+$0x4364]  }
.LBB2_6:
0x8d: {  	s10 =	sshra.s32 s9, $0x2;
	[tilespmem:s7+$0x14200] =	vst v3;
	v3 =	vld [tilespmem:s7+$0x436E]  }
0x8e: {  	s8 =	sadd.s32 $0x8, s8;
	v5 =	vld [tilespmem:s10+$0x43E4];
	[tilespmem:s7+$0x1420A] =	vst v0  }
0x8f: {  	p0 =	slt.u32 s8, $0x38;
	v0 =	vld [tilespmem:s10+$0x43EE];
	[tilespmem:s7+$0x14280] =	vst v1  }
0x90: {  	v1 =	vld [tilespmem:s10+$0x4064];
	[tilespmem:s7+$0x1428A] =	vst v2  }
0x91: {  	v2 =	vld [tilespmem:s10+$0x406E];
	[tilespmem:s7+$0x14300] =	vst v4  }
0x92: {  	v4 =	vld [tilespmem:s10+$0x40E4];
	[tilespmem:s7+$0x1430A] =	vst v3;
	s7 =	smov.u32 s10  }
0x93: {  	v3 =	vld [tilespmem:s7+$0x40EE];
	[tilespmem:s7+$0x14380] =	vst v5  }
0x94: {  	v5 =	vld [tilespmem:s7+$0x4164];
	[tilespmem:s7+$0x1438A] =	vst v0  }
0x95: {  	[tilespmem:s7+$0x14000] =	vst v1;
	v1 =	vld [tilespmem:s7+$0x416E]  }
0x96: {  	[tilespmem:s7+$0x1400A] =	vst v2;
	v2 =	vld [tilespmem:s7+$0x41E4]  }
0x97: {  	[tilespmem:s7+$0x14080] =	vst v4;
	v4 =	vld [tilespmem:s7+$0x41EE]  }
.Ltmp2:
0x98: {  	[tilespmem:s7+$0x1408A] =	vst v3;
	v3 =	vld [tilespmem:s7+$0x4264];
	(pc) =	sbr.rel @p0 .LBB2_6-.Ltmp2, $4  }
0x99: {  	[tilespmem:s7+$0x14100] =	vst v5;
	v0 =	vld [tilespmem:s7+$0x426E]  }
0x9a: {  	[tilespmem:s7+$0x1410A] =	vst v1;
	v1 =	vld [tilespmem:s7+$0x42E4]  }
0x9b: {  	[tilespmem:s7+$0x14180] =	vst v2;
	v2 =	vld [tilespmem:s7+$0x42EE]  }
0x9c: {  	s9 =	sadd.s32 $0x1000, s9;
	[tilespmem:s7+$0x1418A] =	vst v4;
	v4 =	vld [tilespmem:s7+$0x4364]  }
0x9d: {  	[tilespmem:s7+$0x14200] =	vst v3;
	v3 =	vld [tilespmem:s7+$0x436E]  }
0x9e: {  	[tilespmem:s7+$0x1420A] =	vst v0  }
0x9f: {  	[tilespmem:s7+$0x14280] =	vst v1  }
0xa0: {  	[tilespmem:s7+$0x1428A] =	vst v2  }
0xa1: {  	[tilespmem:s7+$0x14300] =	vst v4  }
0xa2: {  	s10 =	simm.s32 $0x0;
	s8 =	simm.s32 $0x14000;
	[tilespmem:s7+$0x1430A] =	vst v3  }
0xa3: {  	[hbm4b:s13+s10] =	stream.linear.scatter [tilespmem:s8], [sflag:$0xB], $0x2000, $0x38;
	v63 =	vld [tilespmem:$0x0]  }
0xa4: {  	_ =	swait.ge [sflag:s20], $0x2000  }
0xa5: {  	[sflag:s20] =	ssyncset.done $0x0  }
0xa6: {  	s7 =	simm.s32 $0x0;
	[sflag:s20] =	ssyncadd.s32 $0xFFFFE000  }
0xa7: {  	v0 =	vld [tilespmem:s7+$0x63E4]  }
0xa8: {  	v2 =	vld [tilespmem:s7+$0x6064]  }
0xa9: {  	v1 =	vld [tilespmem:s7+$0x63EE]  }
0xaa: {  	v4 =	vld [tilespmem:s7+$0x60E4]  }
0xab: {  	v3 =	vld [tilespmem:s7+$0x606E]  }
0xac: {  	v5 =	vld [tilespmem:s7+$0x60EE];
	[tilespmem:s7+$0x16380] =	vst v0  }
0xad: {  	v0 =	vld [tilespmem:s7+$0x6164];
	[tilespmem:s7+$0x16000] =	vst v2  }
0xae: {  	[tilespmem:s7+$0x1638A] =	vst v1;
	v1 =	vld [tilespmem:s7+$0x616E]  }
0xaf: {  	v2 =	vld [tilespmem:s7+$0x61E4];
	[tilespmem:s7+$0x16080] =	vst v4  }
0xb0: {  	v4 =	vld [tilespmem:s7+$0x61EE];
	[tilespmem:s7+$0x1600A] =	vst v3  }
0xb1: {  	[tilespmem:s7+$0x1608A] =	vst v5;
	v3 =	vld [tilespmem:s7+$0x6264]  }
0xb2: {  	[tilespmem:s7+$0x16100] =	vst v0;
	v0 =	vld [tilespmem:s7+$0x626E]  }
0xb3: {  	[tilespmem:s7+$0x1610A] =	vst v1;
	v1 =	vld [tilespmem:s7+$0x62E4]  }
0xb4: {  	[tilespmem:s7+$0x16180] =	vst v2;
	v2 =	vld [tilespmem:s7+$0x62EE]  }
0xb5: {  	s9 =	simm.s32 $0x1000;
	s8 =	simm.s32 $0x0;
	[tilespmem:s7+$0x1618A] =	vst v4;
	v4 =	vld [tilespmem:s7+$0x6364]  }
.LBB2_8:
0xb6: {  	s10 =	sshra.s32 s9, $0x2;
	[tilespmem:s7+$0x16200] =	vst v3;
	v3 =	vld [tilespmem:s7+$0x636E]  }
0xb7: {  	s8 =	sadd.s32 $0x8, s8;
	v5 =	vld [tilespmem:s10+$0x63E4];
	[tilespmem:s7+$0x1620A] =	vst v0  }
0xb8: {  	p0 =	slt.u32 s8, $0x38;
	v0 =	vld [tilespmem:s10+$0x63EE];
	[tilespmem:s7+$0x16280] =	vst v1  }
0xb9: {  	v1 =	vld [tilespmem:s10+$0x6064];
	[tilespmem:s7+$0x1628A] =	vst v2  }
0xba: {  	v2 =	vld [tilespmem:s10+$0x606E];
	[tilespmem:s7+$0x16300] =	vst v4  }
0xbb: {  	v4 =	vld [tilespmem:s10+$0x60E4];
	[tilespmem:s7+$0x1630A] =	vst v3;
	s7 =	smov.u32 s10  }
0xbc: {  	v3 =	vld [tilespmem:s7+$0x60EE];
	[tilespmem:s7+$0x16380] =	vst v5  }
0xbd: {  	v5 =	vld [tilespmem:s7+$0x6164];
	[tilespmem:s7+$0x1638A] =	vst v0  }
0xbe: {  	[tilespmem:s7+$0x16000] =	vst v1;
	v1 =	vld [tilespmem:s7+$0x616E]  }
0xbf: {  	[tilespmem:s7+$0x1600A] =	vst v2;
	v2 =	vld [tilespmem:s7+$0x61E4]  }
0xc0: {  	[tilespmem:s7+$0x16080] =	vst v4;
	v4 =	vld [tilespmem:s7+$0x61EE]  }
.Ltmp3:
0xc1: {  	[tilespmem:s7+$0x1608A] =	vst v3;
	v3 =	vld [tilespmem:s7+$0x6264];
	(pc) =	sbr.rel @p0 .LBB2_8-.Ltmp3, $4  }
0xc2: {  	[tilespmem:s7+$0x16100] =	vst v5;
	v0 =	vld [tilespmem:s7+$0x626E]  }
0xc3: {  	[tilespmem:s7+$0x1610A] =	vst v1;
	v1 =	vld [tilespmem:s7+$0x62E4]  }
0xc4: {  	[tilespmem:s7+$0x16180] =	vst v2;
	v2 =	vld [tilespmem:s7+$0x62EE]  }
0xc5: {  	s9 =	sadd.s32 $0x1000, s9;
	[tilespmem:s7+$0x1618A] =	vst v4;
	v4 =	vld [tilespmem:s7+$0x6364]  }
0xc6: {  	[tilespmem:s7+$0x16200] =	vst v3;
	v3 =	vld [tilespmem:s7+$0x636E]  }
0xc7: {  	[tilespmem:s7+$0x1620A] =	vst v0  }
0xc8: {  	[tilespmem:s7+$0x16280] =	vst v1  }
0xc9: {  	[tilespmem:s7+$0x1628A] =	vst v2  }
0xca: {  	[tilespmem:s7+$0x16300] =	vst v4  }
0xcb: {  	s10 =	simm.s32 $0x0;
	s8 =	simm.s32 $0x16000;
	[tilespmem:s7+$0x1630A] =	vst v3  }
0xcc: {  	[hbm4b:s14+s10] =	stream.linear.scatter [tilespmem:s8], [sflag:$0xC], $0x2000, $0x38;
	v63 =	vld [tilespmem:$0x0]  }
0xcd: {  	_ =	swait.ge [sflag:s22], $0x2000  }
0xce: {  	[sflag:s22] =	ssyncset.done $0x0  }
0xcf: {  	s7 =	simm.s32 $0x0;
	[sflag:s22] =	ssyncadd.s32 $0xFFFFE000  }
0xd0: {  	v0 =	vld [tilespmem:s7+$0x83E4]  }
0xd1: {  	v2 =	vld [tilespmem:s7+$0x8064]  }
0xd2: {  	v1 =	vld [tilespmem:s7+$0x83EE]  }
0xd3: {  	v4 =	vld [tilespmem:s7+$0x80E4]  }
0xd4: {  	v3 =	vld [tilespmem:s7+$0x806E]  }
0xd5: {  	v5 =	vld [tilespmem:s7+$0x80EE];
	[tilespmem:s7+$0x18380] =	vst v0  }
0xd6: {  	v0 =	vld [tilespmem:s7+$0x8164];
	[tilespmem:s7+$0x18000] =	vst v2  }
0xd7: {  	[tilespmem:s7+$0x1838A] =	vst v1;
	v1 =	vld [tilespmem:s7+$0x816E]  }
0xd8: {  	v2 =	vld [tilespmem:s7+$0x81E4];
	[tilespmem:s7+$0x18080] =	vst v4  }
0xd9: {  	v4 =	vld [tilespmem:s7+$0x81EE];
	[tilespmem:s7+$0x1800A] =	vst v3  }
0xda: {  	[tilespmem:s7+$0x1808A] =	vst v5;
	v3 =	vld [tilespmem:s7+$0x8264]  }
0xdb: {  	[tilespmem:s7+$0x18100] =	vst v0;
	v0 =	vld [tilespmem:s7+$0x826E]  }
0xdc: {  	[tilespmem:s7+$0x1810A] =	vst v1;
	v1 =	vld [tilespmem:s7+$0x82E4]  }
0xdd: {  	[tilespmem:s7+$0x18180] =	vst v2;
	v2 =	vld [tilespmem:s7+$0x82EE]  }
0xde: {  	s9 =	simm.s32 $0x1000;
	s8 =	simm.s32 $0x0;
	[tilespmem:s7+$0x1818A] =	vst v4;
	v4 =	vld [tilespmem:s7+$0x8364]  }
.LBB2_10:
0xdf: {  	s10 =	sshra.s32 s9, $0x2;
	[tilespmem:s7+$0x18200] =	vst v3;
	v3 =	vld [tilespmem:s7+$0x836E]  }
0xe0: {  	s8 =	sadd.s32 $0x8, s8;
	v5 =	vld [tilespmem:s10+$0x83E4];
	[tilespmem:s7+$0x1820A] =	vst v0  }
0xe1: {  	p0 =	slt.u32 s8, $0x38;
	v0 =	vld [tilespmem:s10+$0x83EE];
	[tilespmem:s7+$0x18280] =	vst v1  }
0xe2: {  	v1 =	vld [tilespmem:s10+$0x8064];
	[tilespmem:s7+$0x1828A] =	vst v2  }
0xe3: {  	v2 =	vld [tilespmem:s10+$0x806E];
	[tilespmem:s7+$0x18300] =	vst v4  }
0xe4: {  	v4 =	vld [tilespmem:s10+$0x80E4];
	[tilespmem:s7+$0x1830A] =	vst v3;
	s7 =	smov.u32 s10  }
0xe5: {  	v3 =	vld [tilespmem:s7+$0x80EE];
	[tilespmem:s7+$0x18380] =	vst v5  }
0xe6: {  	v5 =	vld [tilespmem:s7+$0x8164];
	[tilespmem:s7+$0x1838A] =	vst v0  }
0xe7: {  	[tilespmem:s7+$0x18000] =	vst v1;
	v1 =	vld [tilespmem:s7+$0x816E]  }
0xe8: {  	[tilespmem:s7+$0x1800A] =	vst v2;
	v2 =	vld [tilespmem:s7+$0x81E4]  }
0xe9: {  	[tilespmem:s7+$0x18080] =	vst v4;
	v4 =	vld [tilespmem:s7+$0x81EE]  }
.Ltmp4:
0xea: {  	[tilespmem:s7+$0x1808A] =	vst v3;
	v3 =	vld [tilespmem:s7+$0x8264];
	(pc) =	sbr.rel @p0 .LBB2_10-.Ltmp4, $4  }
0xeb: {  	[tilespmem:s7+$0x18100] =	vst v5;
	v0 =	vld [tilespmem:s7+$0x826E]  }
0xec: {  	[tilespmem:s7+$0x1810A] =	vst v1;
	v1 =	vld [tilespmem:s7+$0x82E4]  }
0xed: {  	[tilespmem:s7+$0x18180] =	vst v2;
	v2 =	vld [tilespmem:s7+$0x82EE]  }
0xee: {  	s9 =	sadd.s32 $0x1000, s9;
	[tilespmem:s7+$0x1818A] =	vst v4;
	v4 =	vld [tilespmem:s7+$0x8364]  }
0xef: {  	[tilespmem:s7+$0x18200] =	vst v3;
	v3 =	vld [tilespmem:s7+$0x836E]  }
0xf0: {  	[tilespmem:s7+$0x1820A] =	vst v0  }
0xf1: {  	[tilespmem:s7+$0x18280] =	vst v1  }
0xf2: {  	[tilespmem:s7+$0x1828A] =	vst v2  }
0xf3: {  	[tilespmem:s7+$0x18300] =	vst v4  }
0xf4: {  	s10 =	simm.s32 $0x0;
	s8 =	simm.s32 $0x18000;
	[tilespmem:s7+$0x1830A] =	vst v3  }
0xf5: {  	[hbm4b:s15+s10] =	stream.linear.scatter [tilespmem:s8], [sflag:$0xD], $0x2000, $0x38;
	v63 =	vld [tilespmem:$0x0]  }
0xf6: {  	_ =	swait.ge [sflag:s24], $0x2000  }
0xf7: {  	[sflag:s24] =	ssyncset.done $0x0  }
0xf8: {  	s7 =	simm.s32 $0x0;
	[sflag:s24] =	ssyncadd.s32 $0xFFFFE000  }
0xf9: {  	v0 =	vld [tilespmem:s7+$0xA3E4]  }
0xfa: {  	v2 =	vld [tilespmem:s7+$0xA064]  }
0xfb: {  	v1 =	vld [tilespmem:s7+$0xA3EE]  }
0xfc: {  	v4 =	vld [tilespmem:s7+$0xA0E4]  }
0xfd: {  	v3 =	vld [tilespmem:s7+$0xA06E]  }
0xfe: {  	v5 =	vld [tilespmem:s7+$0xA0EE];
	[tilespmem:s7+$0x1A380] =	vst v0  }
0xff: {  	v0 =	vld [tilespmem:s7+$0xA164];
	[tilespmem:s7+$0x1A000] =	vst v2  }
0x100: {  	[tilespmem:s7+$0x1A38A] =	vst v1;
	v1 =	vld [tilespmem:s7+$0xA16E]  }
0x101: {  	v2 =	vld [tilespmem:s7+$0xA1E4];
	[tilespmem:s7+$0x1A080] =	vst v4  }
0x102: {  	v4 =	vld [tilespmem:s7+$0xA1EE];
	[tilespmem:s7+$0x1A00A] =	vst v3  }
0x103: {  	[tilespmem:s7+$0x1A08A] =	vst v5;
	v3 =	vld [tilespmem:s7+$0xA264]  }
0x104: {  	[tilespmem:s7+$0x1A100] =	vst v0;
	v0 =	vld [tilespmem:s7+$0xA26E]  }
0x105: {  	[tilespmem:s7+$0x1A10A] =	vst v1;
	v1 =	vld [tilespmem:s7+$0xA2E4]  }
0x106: {  	[tilespmem:s7+$0x1A180] =	vst v2;
	v2 =	vld [tilespmem:s7+$0xA2EE]  }
0x107: {  	s9 =	simm.s32 $0x1000;
	s8 =	simm.s32 $0x0;
	[tilespmem:s7+$0x1A18A] =	vst v4;
	v4 =	vld [tilespmem:s7+$0xA364]  }
.LBB2_12:
0x108: {  	s10 =	sshra.s32 s9, $0x2;
	[tilespmem:s7+$0x1A200] =	vst v3;
	v3 =	vld [tilespmem:s7+$0xA36E]  }
0x109: {  	s8 =	sadd.s32 $0x8, s8;
	v5 =	vld [tilespmem:s10+$0xA3E4];
	[tilespmem:s7+$0x1A20A] =	vst v0  }
0x10a: {  	p0 =	slt.u32 s8, $0x38;
	v0 =	vld [tilespmem:s10+$0xA3EE];
	[tilespmem:s7+$0x1A280] =	vst v1  }
0x10b: {  	v1 =	vld [tilespmem:s10+$0xA064];
	[tilespmem:s7+$0x1A28A] =	vst v2  }
0x10c: {  	v2 =	vld [tilespmem:s10+$0xA06E];
	[tilespmem:s7+$0x1A300] =	vst v4  }
0x10d: {  	v4 =	vld [tilespmem:s10+$0xA0E4];
	[tilespmem:s7+$0x1A30A] =	vst v3;
	s7 =	smov.u32 s10  }
0x10e: {  	v3 =	vld [tilespmem:s7+$0xA0EE];
	[tilespmem:s7+$0x1A380] =	vst v5  }
0x10f: {  	v5 =	vld [tilespmem:s7+$0xA164];
	[tilespmem:s7+$0x1A38A] =	vst v0  }
0x110: {  	[tilespmem:s7+$0x1A000] =	vst v1;
	v1 =	vld [tilespmem:s7+$0xA16E]  }
0x111: {  	[tilespmem:s7+$0x1A00A] =	vst v2;
	v2 =	vld [tilespmem:s7+$0xA1E4]  }
0x112: {  	[tilespmem:s7+$0x1A080] =	vst v4;
	v4 =	vld [tilespmem:s7+$0xA1EE]  }
.Ltmp5:
0x113: {  	[tilespmem:s7+$0x1A08A] =	vst v3;
	v3 =	vld [tilespmem:s7+$0xA264];
	(pc) =	sbr.rel @p0 .LBB2_12-.Ltmp5, $4  }
0x114: {  	[tilespmem:s7+$0x1A100] =	vst v5;
	v0 =	vld [tilespmem:s7+$0xA26E]  }
0x115: {  	[tilespmem:s7+$0x1A10A] =	vst v1;
	v1 =	vld [tilespmem:s7+$0xA2E4]  }
0x116: {  	[tilespmem:s7+$0x1A180] =	vst v2;
	v2 =	vld [tilespmem:s7+$0xA2EE]  }
0x117: {  	s9 =	sadd.s32 $0x1000, s9;
	[tilespmem:s7+$0x1A18A] =	vst v4;
	v4 =	vld [tilespmem:s7+$0xA364]  }
0x118: {  	[tilespmem:s7+$0x1A200] =	vst v3;
	v3 =	vld [tilespmem:s7+$0xA36E]  }
0x119: {  	[tilespmem:s7+$0x1A20A] =	vst v0  }
0x11a: {  	[tilespmem:s7+$0x1A280] =	vst v1  }
0x11b: {  	[tilespmem:s7+$0x1A28A] =	vst v2  }
0x11c: {  	[tilespmem:s7+$0x1A300] =	vst v4  }
0x11d: {  	s10 =	simm.s32 $0x0;
	s8 =	simm.s32 $0x1A000;
	[tilespmem:s7+$0x1A30A] =	vst v3  }
0x11e: {  	[hbm4b:s16+s10] =	stream.linear.scatter [tilespmem:s8], [sflag:$0xE], $0x2000, $0x38;
	v63 =	vld [tilespmem:$0x0]  }
0x11f: {  	_ =	swait.ge [sflag:s26], $0x2000  }
0x120: {  	[sflag:s26] =	ssyncset.done $0x0  }
0x121: {  	s7 =	simm.s32 $0x0;
	[sflag:s26] =	ssyncadd.s32 $0xFFFFE000  }
0x122: {  	v0 =	vld [tilespmem:s7+$0xC3E4]  }
0x123: {  	v2 =	vld [tilespmem:s7+$0xC064]  }
0x124: {  	v1 =	vld [tilespmem:s7+$0xC3EE]  }
0x125: {  	v4 =	vld [tilespmem:s7+$0xC0E4]  }
0x126: {  	v3 =	vld [tilespmem:s7+$0xC06E]  }
0x127: {  	v5 =	vld [tilespmem:s7+$0xC0EE];
	[tilespmem:s7+$0x1C380] =	vst v0  }
0x128: {  	v0 =	vld [tilespmem:s7+$0xC164];
	[tilespmem:s7+$0x1C000] =	vst v2  }
0x129: {  	[tilespmem:s7+$0x1C38A] =	vst v1;
	v1 =	vld [tilespmem:s7+$0xC16E]  }
0x12a: {  	v2 =	vld [tilespmem:s7+$0xC1E4];
	[tilespmem:s7+$0x1C080] =	vst v4  }
0x12b: {  	v4 =	vld [tilespmem:s7+$0xC1EE];
	[tilespmem:s7+$0x1C00A] =	vst v3  }
0x12c: {  	[tilespmem:s7+$0x1C08A] =	vst v5;
	v3 =	vld [tilespmem:s7+$0xC264]  }
0x12d: {  	[tilespmem:s7+$0x1C100] =	vst v0;
	v0 =	vld [tilespmem:s7+$0xC26E]  }
0x12e: {  	[tilespmem:s7+$0x1C10A] =	vst v1;
	v1 =	vld [tilespmem:s7+$0xC2E4]  }
0x12f: {  	[tilespmem:s7+$0x1C180] =	vst v2;
	v2 =	vld [tilespmem:s7+$0xC2EE]  }
0x130: {  	s9 =	simm.s32 $0x1000;
	s8 =	simm.s32 $0x0;
	[tilespmem:s7+$0x1C18A] =	vst v4;
	v4 =	vld [tilespmem:s7+$0xC364]  }
.LBB2_14:
0x131: {  	s10 =	sshra.s32 s9, $0x2;
	[tilespmem:s7+$0x1C200] =	vst v3;
	v3 =	vld [tilespmem:s7+$0xC36E]  }
0x132: {  	s8 =	sadd.s32 $0x8, s8;
	v5 =	vld [tilespmem:s10+$0xC3E4];
	[tilespmem:s7+$0x1C20A] =	vst v0  }
0x133: {  	p0 =	slt.u32 s8, $0x38;
	v0 =	vld [tilespmem:s10+$0xC3EE];
	[tilespmem:s7+$0x1C280] =	vst v1  }
0x134: {  	v1 =	vld [tilespmem:s10+$0xC064];
	[tilespmem:s7+$0x1C28A] =	vst v2  }
0x135: {  	v2 =	vld [tilespmem:s10+$0xC06E];
	[tilespmem:s7+$0x1C300] =	vst v4  }
0x136: {  	v4 =	vld [tilespmem:s10+$0xC0E4];
	[tilespmem:s7+$0x1C30A] =	vst v3;
	s7 =	smov.u32 s10  }
0x137: {  	v3 =	vld [tilespmem:s7+$0xC0EE];
	[tilespmem:s7+$0x1C380] =	vst v5  }
0x138: {  	v5 =	vld [tilespmem:s7+$0xC164];
	[tilespmem:s7+$0x1C38A] =	vst v0  }
0x139: {  	[tilespmem:s7+$0x1C000] =	vst v1;
	v1 =	vld [tilespmem:s7+$0xC16E]  }
0x13a: {  	[tilespmem:s7+$0x1C00A] =	vst v2;
	v2 =	vld [tilespmem:s7+$0xC1E4]  }
0x13b: {  	[tilespmem:s7+$0x1C080] =	vst v4;
	v4 =	vld [tilespmem:s7+$0xC1EE]  }
.Ltmp6:
0x13c: {  	[tilespmem:s7+$0x1C08A] =	vst v3;
	v3 =	vld [tilespmem:s7+$0xC264];
	(pc) =	sbr.rel @p0 .LBB2_14-.Ltmp6, $4  }
0x13d: {  	[tilespmem:s7+$0x1C100] =	vst v5;
	v0 =	vld [tilespmem:s7+$0xC26E]  }
0x13e: {  	[tilespmem:s7+$0x1C10A] =	vst v1;
	v1 =	vld [tilespmem:s7+$0xC2E4]  }
0x13f: {  	[tilespmem:s7+$0x1C180] =	vst v2;
	v2 =	vld [tilespmem:s7+$0xC2EE]  }
0x140: {  	s9 =	sadd.s32 $0x1000, s9;
	[tilespmem:s7+$0x1C18A] =	vst v4;
	v4 =	vld [tilespmem:s7+$0xC364]  }
0x141: {  	[tilespmem:s7+$0x1C200] =	vst v3;
	v3 =	vld [tilespmem:s7+$0xC36E]  }
0x142: {  	[tilespmem:s7+$0x1C20A] =	vst v0  }
0x143: {  	[tilespmem:s7+$0x1C280] =	vst v1  }
0x144: {  	[tilespmem:s7+$0x1C28A] =	vst v2  }
0x145: {  	[tilespmem:s7+$0x1C300] =	vst v4  }
0x146: {  	s10 =	simm.s32 $0x0;
	s8 =	simm.s32 $0x1C000;
	[tilespmem:s7+$0x1C30A] =	vst v3  }
0x147: {  	[hbm4b:s17+s10] =	stream.linear.scatter [tilespmem:s8], [sflag:$0xF], $0x2000, $0x38;
	v63 =	vld [tilespmem:$0x0]  }
0x148: {  	_ =	swait.ge [sflag:s31], $0x2000  }
0x149: {  	[sflag:s31] =	ssyncset.done $0x0  }
0x14a: {  	s7 =	simm.s32 $0x0;
	[sflag:s31] =	ssyncadd.s32 $0xFFFFE000  }
0x14b: {  	v0 =	vld [tilespmem:s7+$0xE3E4]  }
0x14c: {  	v2 =	vld [tilespmem:s7+$0xE064]  }
0x14d: {  	v1 =	vld [tilespmem:s7+$0xE3EE]  }
0x14e: {  	v4 =	vld [tilespmem:s7+$0xE0E4]  }
0x14f: {  	v3 =	vld [tilespmem:s7+$0xE06E]  }
0x150: {  	v5 =	vld [tilespmem:s7+$0xE0EE];
	[tilespmem:s7+$0x1E380] =	vst v0  }
0x151: {  	v0 =	vld [tilespmem:s7+$0xE164];
	[tilespmem:s7+$0x1E000] =	vst v2  }
0x152: {  	[tilespmem:s7+$0x1E38A] =	vst v1;
	v1 =	vld [tilespmem:s7+$0xE16E]  }
0x153: {  	v2 =	vld [tilespmem:s7+$0xE1E4];
	[tilespmem:s7+$0x1E080] =	vst v4  }
0x154: {  	v4 =	vld [tilespmem:s7+$0xE1EE];
	[tilespmem:s7+$0x1E00A] =	vst v3  }
0x155: {  	[tilespmem:s7+$0x1E08A] =	vst v5;
	v3 =	vld [tilespmem:s7+$0xE264]  }
0x156: {  	[tilespmem:s7+$0x1E100] =	vst v0;
	v0 =	vld [tilespmem:s7+$0xE26E]  }
0x157: {  	[tilespmem:s7+$0x1E10A] =	vst v1;
	v1 =	vld [tilespmem:s7+$0xE2E4]  }
0x158: {  	[tilespmem:s7+$0x1E180] =	vst v2;
	v2 =	vld [tilespmem:s7+$0xE2EE]  }
0x159: {  	s9 =	simm.s32 $0x1000;
	s8 =	simm.s32 $0x0;
	[tilespmem:s7+$0x1E18A] =	vst v4;
	v4 =	vld [tilespmem:s7+$0xE364]  }
.LBB2_16:
0x15a: {  	s10 =	sshra.s32 s9, $0x2;
	[tilespmem:s7+$0x1E200] =	vst v3;
	v3 =	vld [tilespmem:s7+$0xE36E]  }
0x15b: {  	s8 =	sadd.s32 $0x8, s8;
	v5 =	vld [tilespmem:s10+$0xE3E4];
	[tilespmem:s7+$0x1E20A] =	vst v0  }
0x15c: {  	p0 =	slt.u32 s8, $0x38;
	v0 =	vld [tilespmem:s10+$0xE3EE];
	[tilespmem:s7+$0x1E280] =	vst v1  }
0x15d: {  	v1 =	vld [tilespmem:s10+$0xE064];
	[tilespmem:s7+$0x1E28A] =	vst v2  }
0x15e: {  	v2 =	vld [tilespmem:s10+$0xE06E];
	[tilespmem:s7+$0x1E300] =	vst v4  }
0x15f: {  	v4 =	vld [tilespmem:s10+$0xE0E4];
	[tilespmem:s7+$0x1E30A] =	vst v3;
	s7 =	smov.u32 s10  }
0x160: {  	v3 =	vld [tilespmem:s7+$0xE0EE];
	[tilespmem:s7+$0x1E380] =	vst v5  }
0x161: {  	v5 =	vld [tilespmem:s7+$0xE164];
	[tilespmem:s7+$0x1E38A] =	vst v0  }
0x162: {  	[tilespmem:s7+$0x1E000] =	vst v1;
	v1 =	vld [tilespmem:s7+$0xE16E]  }
0x163: {  	[tilespmem:s7+$0x1E00A] =	vst v2;
	v2 =	vld [tilespmem:s7+$0xE1E4]  }
0x164: {  	[tilespmem:s7+$0x1E080] =	vst v4;
	v4 =	vld [tilespmem:s7+$0xE1EE]  }
.Ltmp7:
0x165: {  	[tilespmem:s7+$0x1E08A] =	vst v3;
	v3 =	vld [tilespmem:s7+$0xE264];
	(pc) =	sbr.rel @p0 .LBB2_16-.Ltmp7, $4  }
0x166: {  	[tilespmem:s7+$0x1E100] =	vst v5;
	v0 =	vld [tilespmem:s7+$0xE26E]  }
0x167: {  	[tilespmem:s7+$0x1E10A] =	vst v1;
	v1 =	vld [tilespmem:s7+$0xE2E4]  }
0x168: {  	[tilespmem:s7+$0x1E180] =	vst v2;
	v2 =	vld [tilespmem:s7+$0xE2EE]  }
0x169: {  	s9 =	sadd.s32 $0x1000, s9;
	[tilespmem:s7+$0x1E18A] =	vst v4;
	v4 =	vld [tilespmem:s7+$0xE364]  }
0x16a: {  	[tilespmem:s7+$0x1E200] =	vst v3;
	v62 =	vld [tilespmem:s7+$0xE36E]  }
0x16b: {  	[tilespmem:s7+$0x1E20A] =	vst v0  }
0x16c: {  	[tilespmem:s7+$0x1E280] =	vst v1  }
0x16d: {  	[tilespmem:s7+$0x1E28A] =	vst v2  }
0x16e: {  	[tilespmem:s7+$0x1E300] =	vst v4  }
0x16f: {  	s10 =	simm.s32 $0x1E000;
	[tilespmem:s7+$0x1E30A] =	vst v62  }
0x170: {  	[hbm4b:s18+s2] =	stream.linear.scatter [tilespmem:s10], [sflag:$0x10], $0x2000, $0x38;
	v63 =	vld [tilespmem:$0x0]  }
0x171: {  	_ =	swait.ge [sflag:s21], $0x2000  }
0x172: {  	[sflag:s21] =	ssyncset.done $0x0  }
0x173: {  	[sflag:s21] =	ssyncadd.s32 $0xFFFFE000  }
0x174: {  	_ =	swait.ge [sflag:s23], $0x2000  }
0x175: {  	[sflag:s23] =	ssyncset.done $0x0  }
0x176: {  	[sflag:s23] =	ssyncadd.s32 $0xFFFFE000  }
0x177: {  	_ =	swait.ge [sflag:s25], $0x2000  }
0x178: {  	[sflag:s25] =	ssyncset.done $0x0  }
0x179: {  	[sflag:s25] =	ssyncadd.s32 $0xFFFFE000  }
0x17a: {  	_ =	swait.ge [sflag:s29], $0x2000  }
0x17b: {  	[sflag:s29] =	ssyncset.done $0x0  }
0x17c: {  	[sflag:s29] =	ssyncadd.s32 $0xFFFFE000  }
0x17d: {  	_ =	swait.ge [sflag:s1], $0x2000  }
0x17e: {  	[sflag:s1] =	ssyncset.done $0x0  }
0x17f: {  	[sflag:s1] =	ssyncadd.s32 $0xFFFFE000  }
0x180: {  	_ =	swait.ge [sflag:s3], $0x2000  }
0x181: {  	[sflag:s3] =	ssyncset.done $0x0  }
0x182: {  	s6 =	sadd.s32 $0x1, s6;
	[sflag:s3] =	ssyncadd.s32 $0xFFFFE000  }
0x183: {  	p0 =	sne.s32 s6, s19;
	_ =	swait.ge [sflag:s4], $0x2000  }
.Ltmp8:
0x184: {  	[sflag:s4] =	ssyncset.done $0x0;
	(pc) =	sbr.rel @p0 .LBB2_1-.Ltmp8, $4  }
0x185: {  	[sflag:s4] =	ssyncadd.s32 $0xFFFFE000  }
0x186: {  	_ =	swait.ge [sflag:s5], $0x2000  }
0x187: {  	[sflag:s5] =	ssyncset.done $0x0  }
0x188: {  	[sflag:s5] =	ssyncadd.s32 $0xFFFFE000  }
0x189: {  	_ =	sfence.sel $0x180000  }
0x18a: {  	[bflag:$0x0] =	sbarrier.arrive $0xFFFF  }
0x18b: {  	_ =	strace $0x90000047  }
0x18c: {  	s0 =	stileid.u32;
	[bflag:$0x2] =	sbarrier.arrive $0xFFFF  }
0x18d: {  	p0 =	sne.s32 s0, $0x0;
	s0 =	rddreg [dreg:$0x2]  }
0x18e: {  	s0 =	sadd.s32 @!p0 $0x100000, s0  }
0x18f: {  	[sflag:s0] =	ssyncadd.tile.s32 @!p0 $0x1;
	_ =	shalt  }
.Lfunc_end2:
_tile_overlayer_lowered:
.L_overlay_start_2:
0x190: {  	(tag) =	ssettag $0x2  }
0x191: {  	s0 =	rddreg [dreg:$0x0];
	s2 =	stileid.u32  }
0x192: {  	s1 =	rddreg [dreg:$0x1];
	p0 =	sne.s32 s2, $0x0  }
0x193: {  	s3 =	rddreg [dreg:$0x2];
	[bflag:$0x3] =	sbarrier.arrive $0xFFFF;
	s2 =	simm.s32 @!p0 $0x1C11  }
0x194: {  	[timem:s3], [sflag:s2] =	dma.local @!p0 [hbm:s0], s1  }
0x195: {  	s0 =	simm.s32 @!p0 $0x11  }
0x196: {  	_ =	swait.ge @!p0 [sflag:s0], s1  }
0x197: {  	s1 =	ssub.s32 @!p0 $0x0, s1;
	[sflag:s0] =	ssyncset.done @!p0 $0x0  }
0x198: {  	[sflag:s0] =	ssyncadd.s32 @!p0 s1  }
0x199: {  	[bflag:$0x3] =	sbarrier.arrive $0xFFFF  }
0x19a: {  	_ =	shalt  }

</sc_bundles>
